<compile_context>
chip_gen: v7x
topology: tpu7x:2x2x1
jax: 0.10.2.dev20260603
libtpu: 0.0.44.dev20260713+nightly
codegen_flags: <defaults>
</compile_context>

<pallas_src>
import functools

import jax
import jax.numpy as jnp
from jax import lax
from jax.experimental import pallas as pl
from jax.experimental.pallas import tpu as pltpu
from jax.experimental.pallas import tpu_sc as plsc

N = 10000
E = 160000
IN_DIM = 256
H = 4
D = 128
HD = H * D
R = 1000

NC = 2
NS = 16
NW = NC * NS
TPB = 640
CA = 160
CB = 64
GA = E // CA
GB = E // CB
KA = -(-GA // NS)
KB = -(-GB // NW)
NZ = 40


def _mm_body(x_ref, wc_ref, alr_ref, bias_ref, feat_ref, res_ref, el_ref, er_ref):
    f = jnp.dot(x_ref[...], wc_ref[...], preferred_element_type=jnp.float32)
    feat = f[:, :HD]
    feat_ref[...] = feat.astype(jnp.bfloat16)
    res_ref[...] = f[:, HD:] + bias_ref[...]
    elr = jnp.dot(feat, alr_ref[...], preferred_element_type=jnp.float32)
    el_ref[...] = elr[:, :16]
    er_ref[...] = elr[:, 16:]


def _mm_stage(x, Wc, Alr, bias_m):
    return pl.pallas_call(
        _mm_body,
        grid=(N // R,),
        in_specs=[
            pl.BlockSpec((R, IN_DIM), lambda i: (i, 0)),
            pl.BlockSpec((IN_DIM, HD + D), lambda i: (0, 0)),
            pl.BlockSpec((HD, 32), lambda i: (0, 0)),
            pl.BlockSpec((1, D), lambda i: (0, 0)),
        ],
        out_specs=[
            pl.BlockSpec((R, HD), lambda i: (i, 0)),
            pl.BlockSpec((R, D), lambda i: (i, 0)),
            pl.BlockSpec((R, 16), lambda i: (i, 0)),
            pl.BlockSpec((R, 16), lambda i: (i, 0)),
        ],
        out_shape=[
            jax.ShapeDtypeStruct((N, HD), jnp.bfloat16),
            jax.ShapeDtypeStruct((N, D), jnp.float32),
            jax.ShapeDtypeStruct((N, 16), jnp.float32),
            jax.ShapeDtypeStruct((N, 16), jnp.float32),
        ],
    )(x, Wc, Alr, bias_m)


def _sc_body(src_hbm, dst_hbm, el_hbm, er_hbm, feat_hbm, out_hbm, ee_hbm,
             sa_idx, da_idx, ela, era, eea,
             sb_idx, db_idx, eeb, rdb, fb, cb,
             za, rbuf, denom_sh, acc_sh):
    c = lax.axis_index("c")
    s = lax.axis_index("s")
    wid = c * NS + s
    base_row = s * TPB
    rows = jnp.minimum(TPB, N - base_row)
    nch = rows // NZ
    zeros16 = jnp.zeros((16,), jnp.float32)

    def zero_body(r, _):
        for j in range(D // 16):
            za[r, pl.ds(j * 16, 16)] = zeros16
        rbuf[r, :] = zeros16
        return 0
    lax.fori_loop(0, NZ, zero_body, 0)

    def zero_copy(k, _):
        r0 = base_row + k * NZ
        pltpu.sync_copy(za, acc_sh.at[pl.ds(r0, NZ), :])
        pltpu.sync_copy(rbuf, denom_sh.at[pl.ds(r0, NZ), :])
        return 0
    lax.fori_loop(0, nch, zero_copy, 0)
    plsc.subcore_barrier()

    def edge_a(i, _):
        ev = ela[i, :] + era[i, :]
        ev = jnp.maximum(ev, 0.2 * ev)
        eea[i, :] = jnp.exp(ev)
        return 0

    def chunk_a(ka, _):
        g = ka * NS + s
        @pl.when(g < GA)
        def _():
            off = g * CA
            pltpu.sync_copy(src_hbm.at[pl.ds(off, CA)], sa_idx)
            pltpu.sync_copy(dst_hbm.at[pl.ds(off, CA)], da_idx)
            pltpu.sync_copy(el_hbm.at[sa_idx], ela)
            pltpu.sync_copy(er_hbm.at[da_idx], era)
            lax.fori_loop(0, CA, edge_a, 0)
            pltpu.sync_copy(eea, denom_sh.at[da_idx], add=True)
            pltpu.sync_copy(eea, ee_hbm.at[c, pl.ds(off, CA), :])
        return 0
    lax.fori_loop(0, KA, chunk_a, 0)
    plsc.subcore_barrier()

    def recip_body(r, _):
        rbuf[r, :] = 0.25 / (rbuf[r, :] + 1e-9)
        return 0

    def recip_chunk(k, _):
        r0 = base_row + k * NZ
        pltpu.sync_copy(denom_sh.at[pl.ds(r0, NZ), :], rbuf)
        lax.fori_loop(0, NZ, recip_body, 0)
        pltpu.sync_copy(rbuf, denom_sh.at[pl.ds(r0, NZ), :])
        return 0
    lax.fori_loop(0, nch, recip_chunk, 0)
    plsc.subcore_barrier()

    hsel = [jnp.full((16, 1), h, jnp.int32) for h in range(H)]
    gdn = lax.GatherDimensionNumbers(
        offset_dims=(), collapsed_slice_dims=(0,), start_index_map=(0,))

    def _splat(v, idx):
        return lax.gather(v, idx, gdn, slice_sizes=(1,),
                          mode=lax.GatherScatterMode.PROMISE_IN_BOUNDS)

    def edge_b(i, _):
        av = eeb[i, :] * rdb[i, :]
        ah = [_splat(av, hsel[h]) for h in range(H)]
        accs = [None] * (D // 16)
        for h in range(H):
            for j2 in range(D // 32):
                v = fb[i, pl.ds(h * (D // 2) + j2 * 16, 16)]
                lo = lax.bitcast_convert_type(
                    lax.shift_left(v, jnp.int32(16)), jnp.float32)
                hi = lax.bitcast_convert_type(
                    jnp.bitwise_and(v, jnp.int32(-65536)), jnp.float32)
                if h == 0:
                    accs[2 * j2] = ah[0] * lo
                    accs[2 * j2 + 1] = ah[0] * hi
                else:
                    accs[2 * j2] = accs[2 * j2] + ah[h] * lo
                    accs[2 * j2 + 1] = accs[2 * j2 + 1] + ah[h] * hi
        for b in range(D // 16):
            cb[i, pl.ds(b * 16, 16)] = accs[b]
        return 0

    def chunk_b(kb, _):
        g = kb * NW + wid
        @pl.when(g < GB)
        def _():
            off = g * CB
            pltpu.sync_copy(src_hbm.at[pl.ds(off, CB)], sb_idx)
            pltpu.sync_copy(dst_hbm.at[pl.ds(off, CB)], db_idx)
            pltpu.sync_copy(ee_hbm.at[c, pl.ds(off, CB), :], eeb)
            pltpu.sync_copy(denom_sh.at[db_idx], rdb)
            pltpu.sync_copy(feat_hbm.at[sb_idx], fb)
            lax.fori_loop(0, CB, edge_b, 0)
            pltpu.sync_copy(cb, acc_sh.at[db_idx], add=True)
        return 0
    lax.fori_loop(0, KB, chunk_b, 0)
    plsc.subcore_barrier()

    def out_copy(k, _):
        r0 = base_row + k * NZ
        pltpu.sync_copy(acc_sh.at[pl.ds(r0, NZ), :],
                        out_hbm.at[c, pl.ds(r0, NZ), :])
        return 0
    lax.fori_loop(0, nch, out_copy, 0)


def _sc_stage(src, dst, el_t, er_t, feat):
    mesh = plsc.VectorSubcoreMesh(
        core_axis_name="c", subcore_axis_name="s", num_cores=NC, num_subcores=NS)
    f = pl.kernel(
        _sc_body,
        out_type=[
            jax.ShapeDtypeStruct((NC, N, D), jnp.float32),
            jax.ShapeDtypeStruct((NC, E, 16), jnp.float32),
        ],
        mesh=mesh,
        compiler_params=pltpu.CompilerParams(use_tc_tiling_on_sc=False),
        scratch_types=[
            pltpu.VMEM((CA,), jnp.int32),
            pltpu.VMEM((CA,), jnp.int32),
            pltpu.VMEM((CA, 16), jnp.float32),
            pltpu.VMEM((CA, 16), jnp.float32),
            pltpu.VMEM((CA, 16), jnp.float32),
            pltpu.VMEM((CB,), jnp.int32),
            pltpu.VMEM((CB,), jnp.int32),
            pltpu.VMEM((CB, 16), jnp.float32),
            pltpu.VMEM((CB, 16), jnp.float32),
            pltpu.VMEM((CB, HD // 2), jnp.int32),
            pltpu.VMEM((CB, D), jnp.float32),
            pltpu.VMEM((NZ, D), jnp.float32),
            pltpu.VMEM((NZ, 16), jnp.float32),
            pltpu.VMEM_SHARED((N, 16), jnp.float32),
            pltpu.VMEM_SHARED((N, D), jnp.float32),
        ],
    )
    acc, _ = f(src, dst, el_t, er_t, feat)
    return acc


def _comb_body(a0_ref, a1_ref, res_ref, out_ref):
    out_ref[...] = a0_ref[...] + a1_ref[...] + res_ref[...]


def _comb_stage(a0, a1, res):
    return pl.pallas_call(
        _comb_body,
        grid=(N // R,),
        in_specs=[pl.BlockSpec((R, D), lambda i: (i, 0))] * 3,
        out_specs=pl.BlockSpec((R, D), lambda i: (i, 0)),
        out_shape=jax.ShapeDtypeStruct((N, D), jnp.float32),
    )(a0, a1, res)


def kernel(x, edge_index, W, attn_l, attn_r, Wres, bias):
    src = edge_index[0]
    dst = edge_index[1]
    Wres_m = Wres.reshape(IN_DIM, H, D).mean(axis=1)
    bias_m = bias.reshape(1, H, D).mean(axis=1)
    m_idx = jnp.arange(HD, dtype=jnp.int32)
    j2b, r = m_idx // 32, m_idx % 32
    q = j2b * 32 + (r // 2) + (r % 2) * 16
    Wc = jnp.concatenate([W[:, q], Wres_m], axis=1)
    heads = q // D
    Alr = jnp.zeros((HD, 32), jnp.float32)
    al_f = attn_l.reshape(-1)
    ar_f = attn_r.reshape(-1)
    Alr = Alr.at[m_idx, heads].set(al_f[q])
    Alr = Alr.at[m_idx, 16 + heads].set(ar_f[q])

    feat_bf, res, el_t, er_t = _mm_stage(x, Wc, Alr, bias_m)
    feat_i32 = lax.bitcast_convert_type(
        feat_bf.reshape(N, HD // 2, 2), jnp.int32)
    acc = _sc_stage(src, dst, el_t, er_t, feat_i32)
    return _comb_stage(acc[0], acc[1], res)

# --- scband reference (transcript-rebuilt; emitter-appended) ---
"""Pipeline reference for scband-gat-78675210928331 (READ-ONLY COPY).

The authoritative reference and input builder live on the scoring server;
editing this copy changes nothing except your own understanding.
"""

import jax, jax.numpy as jnp
import numpy as np

N = 10000
E = 160000
IN_DIM = 256
H = 4
D = 128


def setup_inputs(seed: int = 0) -> dict:
    key = jax.random.key(seed)
    ks = jax.random.split(key, 7)
    x = jax.random.normal(ks[0], (N, IN_DIM), dtype=jnp.float32)
    edge_index = jax.random.randint(ks[1], (2, E), 0, N, dtype=jnp.int32)
    W = jax.random.normal(ks[2], (IN_DIM, H * D), dtype=jnp.float32) * (1.0 / np.sqrt(IN_DIM))
    attn_l = jax.random.normal(ks[3], (H, D), dtype=jnp.float32) * 0.1
    attn_r = jax.random.normal(ks[4], (H, D), dtype=jnp.float32) * 0.1
    Wres = jax.random.normal(ks[5], (IN_DIM, H * D), dtype=jnp.float32) * (1.0 / np.sqrt(IN_DIM))
    bias = jax.random.normal(ks[6], (H * D,), dtype=jnp.float32) * 0.01
    return {"x": x, "edge_index": edge_index, "W": W, "attn_l": attn_l, "attn_r": attn_r, "Wres": Wres, "bias": bias}


def reference(x, edge_index, W, attn_l, attn_r, Wres, bias):
    # Single-layer GAT (DGL-style GATConv), residual=True, activation=None on last layer,
    # dropout probs all 0 -> identity. Output is mean over heads (num_layers==1 path).
    src = edge_index[0]
    dst = edge_index[1]
    feat = (x @ W).reshape(N, H, D)                      # [N, H, D]
    el = jnp.sum(feat * attn_l[None, :, :], axis=-1)     # [N, H]
    er = jnp.sum(feat * attn_r[None, :, :], axis=-1)     # [N, H]
    e = el[src] + er[dst]                                # [E, H]
    e = jnp.where(e > 0, e, 0.2 * e)                     # leaky_relu(negative_slope=0.2)
    # edge softmax over incoming edges of each dst node
    m = jax.ops.segment_max(e, dst, num_segments=N)      # [N, H]
    m = jnp.where(jnp.isfinite(m), m, 0.0)
    m = jax.lax.stop_gradient(m)
    ee = jnp.exp(e - m[dst])                             # [E, H]
    denom = jax.ops.segment_sum(ee, dst, num_segments=N) # [N, H]
    alpha = ee / (denom[dst] + 1e-9)                     # [E, H]
    msg = alpha[:, :, None] * feat[src]                  # [E, H, D]
    rst = jax.ops.segment_sum(msg, dst, num_segments=N)  # [N, H, D]
    # residual connection (in_dim != H*D -> linear res_fc)
    rst = rst + (x @ Wres).reshape(N, H, D)
    rst = rst + bias.reshape(1, H, D)
    # GAT.forward: last layer -> h.mean(1)
    return rst.mean(axis=1)                              # [N, D]

if __name__ == "__main__":
    import jax
    _d = setup_inputs()
    print(jax.jit(kernel)(*tuple(_d.values())))

</pallas_src>

<mosaic_0001>
#map = affine_map<(d0, d1) -> (0)>
#map1 = affine_map<(d0, d1) -> (0, 0)>
#map2 = affine_map<(d0, d1) -> (0, 0, 0)>
module attributes {stable_mosaic.version = 14 : i64} {
  func.func @_sc_body(%arg0: i32, %arg1: i32, %arg2: memref<160000xi32, #tpu.memory_space<hbm>>, %arg3: memref<160000xi32, #tpu.memory_space<hbm>>, %arg4: memref<10000x16xf32, #tpu.memory_space<hbm>>, %arg5: memref<10000x16xf32, #tpu.memory_space<hbm>>, %arg6: memref<10000x256xi32, #tpu.memory_space<hbm>>, %arg7: memref<2x10000x128xf32, #tpu.memory_space<hbm>>, %arg8: memref<2x160000x16xf32, #tpu.memory_space<hbm>>, %arg9: memref<160xi32, #tpu.memory_space<vmem>>, %arg10: memref<160xi32, #tpu.memory_space<vmem>>, %arg11: memref<160x16xf32, #tpu.memory_space<vmem>>, %arg12: memref<160x16xf32, #tpu.memory_space<vmem>>, %arg13: memref<160x16xf32, #tpu.memory_space<vmem>>, %arg14: memref<64xi32, #tpu.memory_space<vmem>>, %arg15: memref<64xi32, #tpu.memory_space<vmem>>, %arg16: memref<64x16xf32, #tpu.memory_space<vmem>>, %arg17: memref<64x16xf32, #tpu.memory_space<vmem>>, %arg18: memref<64x256xi32, #tpu.memory_space<vmem>>, %arg19: memref<64x128xf32, #tpu.memory_space<vmem>>, %arg20: memref<40x128xf32, #tpu.memory_space<vmem>>, %arg21: memref<40x16xf32, #tpu.memory_space<vmem>>, %arg22: memref<10000x16xf32, #tpu.memory_space<vmem_shared>>, %arg23: memref<10000x128xf32, #tpu.memory_space<vmem_shared>>) attributes {dimension_semantics = [#tpu.dimension_semantics<core_parallel>, #tpu.dimension_semantics<subcore_parallel>], iteration_bounds = array<i64: 2, 16>, scalar_prefetch = 0 : i64, scratch_operands = 15 : i64, tpu.core_type = #tpu.core_type<sc_vector_subcore>, window_params = [{transform_indices = #map}, {transform_indices = #map}, {transform_indices = #map1}, {transform_indices = #map1}, {transform_indices = #map1}, {transform_indices = #map2}, {transform_indices = #map2}]} {
    %mul3A = arith.constant 16 : i32
    %mul3A_0 = arith.muli %arg0, %mul3A : i32
    %add3A = arith.addi %mul3A_0, %arg1 : i32
    %mul3A_1 = arith.constant 640 : i32
    %mul3A_2 = arith.muli %arg1, %mul3A_1 : i32
    %sub3A = arith.constant 10000 : i32
    %sub3A_3 = arith.subi %sub3A, %mul3A_2 : i32
    %min3A = arith.constant 640 : i32
    %min3A_4 = arith.minsi %min3A, %sub3A_3 : i32
    %jit3A = arith.constant 40 : i32
    %div3A = arith.divsi %min3A_4, %jit3A : i32
    %sign3A = arith.constant 0 : i32
    %sign3A_5 = arith.cmpi sgt, %min3A_4, %sign3A : i32
    %sign3A_6 = arith.extui %sign3A_5 : i1 to i32
    %sign3A_7 = arith.constant 0 : i32
    %sign3A_8 = arith.cmpi slt, %min3A_4, %sign3A_7 : i32
    %sign3A_9 = arith.extui %sign3A_8 : i1 to i32
    %sign3A_10 = arith.subi %sign3A_6, %sign3A_9 : i32
    %sign3A_11 = arith.constant 0 : i32
    %sign3A_12 = arith.cmpi sgt, %jit3A, %sign3A_11 : i32
    %sign3A_13 = arith.extui %sign3A_12 : i1 to i32
    %sign3A_14 = arith.constant 0 : i32
    %sign3A_15 = arith.cmpi slt, %jit3A, %sign3A_14 : i32
    %sign3A_16 = arith.extui %sign3A_15 : i1 to i32
    %sign3A_17 = arith.subi %sign3A_13, %sign3A_16 : i32
    %ne3A = arith.cmpi ne, %sign3A_10, %sign3A_17 : i32
    %rem3A = arith.remsi %min3A_4, %jit3A : i32
    %ne3A_18 = arith.constant 0 : i32
    %ne3A_19 = arith.cmpi ne, %rem3A, %ne3A_18 : i32
    %and3A = arith.andi %ne3A, %ne3A_19 : i1
    %sub3A_20 = arith.constant 1 : i32
    %sub3A_21 = arith.subi %div3A, %sub3A_20 : i32
    %select_n3A = arith.select %and3A, %sub3A_21, %div3A : i32
    %broadcast_in_dim3A = arith.constant 0.000000e+00 : f32
    %broadcast_in_dim3A_22 = vector.broadcast %broadcast_in_dim3A : f32 to vector<16xf32>
    %scan3A = arith.constant 0 : i32
    %scan3A_23 = arith.constant 0 : i32
    %scan3A_24 = arith.constant 40 : i32
    %scan3A_25 = arith.addi %scan3A_23, %scan3A_24 : i32
    %scan3A_26 = arith.constant 1 : i32
    %scan3A_27 = scf.for %scan3A_89 = %scan3A_23 to %scan3A_25 step %scan3A_26 iter_args(%scan3A_90 = %scan3A) -> (i32)  : i32 {
      %swap3A = arith.index_cast %scan3A_89 : i32 to index
      %swap3A_91 = arith.constant 0 : index
      %swap3A_92 = tpu.vector_load %arg20[%swap3A, %swap3A_91] {strides = array<i32>} : memref<40x128xf32, #tpu.memory_space<vmem>>, vector<1x16xf32>,
      %swap3A_93 = vector.shape_cast %swap3A_92 : vector<1x16xf32> to vector<16xf32>
      %swap3A_94 = vector.shape_cast %broadcast_in_dim3A_22 : vector<16xf32> to vector<1x16xf32>
      tpu.vector_store %arg20[%swap3A, %swap3A_91], %swap3A_94 {strides = array<i32>} : memref<40x128xf32, #tpu.memory_space<vmem>>, vector<1x16xf32>,
      %swap3A_95 = arith.index_cast %scan3A_89 : i32 to index
      %swap3A_96 = arith.constant 16 : index
      %swap3A_97 = tpu.vector_load %arg20[%swap3A_95, %swap3A_96] {strides = array<i32>} : memref<40x128xf32, #tpu.memory_space<vmem>>, vector<1x16xf32>,
      %swap3A_98 = vector.shape_cast %swap3A_97 : vector<1x16xf32> to vector<16xf32>
      %swap3A_99 = vector.shape_cast %broadcast_in_dim3A_22 : vector<16xf32> to vector<1x16xf32>
      tpu.vector_store %arg20[%swap3A_95, %swap3A_96], %swap3A_99 {strides = array<i32>} : memref<40x128xf32, #tpu.memory_space<vmem>>, vector<1x16xf32>,
      %swap3A_100 = arith.index_cast %scan3A_89 : i32 to index
      %swap3A_101 = arith.constant 32 : index
      %swap3A_102 = tpu.vector_load %arg20[%swap3A_100, %swap3A_101] {strides = array<i32>} : memref<40x128xf32, #tpu.memory_space<vmem>>, vector<1x16xf32>,
      %swap3A_103 = vector.shape_cast %swap3A_102 : vector<1x16xf32> to vector<16xf32>
      %swap3A_104 = vector.shape_cast %broadcast_in_dim3A_22 : vector<16xf32> to vector<1x16xf32>
      tpu.vector_store %arg20[%swap3A_100, %swap3A_101], %swap3A_104 {strides = array<i32>} : memref<40x128xf32, #tpu.memory_space<vmem>>, vector<1x16xf32>,
      %swap3A_105 = arith.index_cast %scan3A_89 : i32 to index
      %swap3A_106 = arith.constant 48 : index
      %swap3A_107 = tpu.vector_load %arg20[%swap3A_105, %swap3A_106] {strides = array<i32>} : memref<40x128xf32, #tpu.memory_space<vmem>>, vector<1x16xf32>,
      %swap3A_108 = vector.shape_cast %swap3A_107 : vector<1x16xf32> to vector<16xf32>
      %swap3A_109 = vector.shape_cast %broadcast_in_dim3A_22 : vector<16xf32> to vector<1x16xf32>
      tpu.vector_store %arg20[%swap3A_105, %swap3A_106], %swap3A_109 {strides = array<i32>} : memref<40x128xf32, #tpu.memory_space<vmem>>, vector<1x16xf32>,
      %swap3A_110 = arith.index_cast %scan3A_89 : i32 to index
      %swap3A_111 = arith.constant 64 : index
      %swap3A_112 = tpu.vector_load %arg20[%swap3A_110, %swap3A_111] {strides = array<i32>} : memref<40x128xf32, #tpu.memory_space<vmem>>, vector<1x16xf32>,
      %swap3A_113 = vector.shape_cast %swap3A_112 : vector<1x16xf32> to vector<16xf32>
      %swap3A_114 = vector.shape_cast %broadcast_in_dim3A_22 : vector<16xf32> to vector<1x16xf32>
      tpu.vector_store %arg20[%swap3A_110, %swap3A_111], %swap3A_114 {strides = array<i32>} : memref<40x128xf32, #tpu.memory_space<vmem>>, vector<1x16xf32>,
      %swap3A_115 = arith.index_cast %scan3A_89 : i32 to index
      %swap3A_116 = arith.constant 80 : index
      %swap3A_117 = tpu.vector_load %arg20[%swap3A_115, %swap3A_116] {strides = array<i32>} : memref<40x128xf32, #tpu.memory_space<vmem>>, vector<1x16xf32>,
      %swap3A_118 = vector.shape_cast %swap3A_117 : vector<1x16xf32> to vector<16xf32>
      %swap3A_119 = vector.shape_cast %broadcast_in_dim3A_22 : vector<16xf32> to vector<1x16xf32>
      tpu.vector_store %arg20[%swap3A_115, %swap3A_116], %swap3A_119 {strides = array<i32>} : memref<40x128xf32, #tpu.memory_space<vmem>>, vector<1x16xf32>,
      %swap3A_120 = arith.index_cast %scan3A_89 : i32 to index
      %swap3A_121 = arith.constant 96 : index
      %swap3A_122 = tpu.vector_load %arg20[%swap3A_120, %swap3A_121] {strides = array<i32>} : memref<40x128xf32, #tpu.memory_space<vmem>>, vector<1x16xf32>,
      %swap3A_123 = vector.shape_cast %swap3A_122 : vector<1x16xf32> to vector<16xf32>
      %swap3A_124 = vector.shape_cast %broadcast_in_dim3A_22 : vector<16xf32> to vector<1x16xf32>
      tpu.vector_store %arg20[%swap3A_120, %swap3A_121], %swap3A_124 {strides = array<i32>} : memref<40x128xf32, #tpu.memory_space<vmem>>, vector<1x16xf32>,
      %swap3A_125 = arith.index_cast %scan3A_89 : i32 to index
      %swap3A_126 = arith.constant 112 : index
      %swap3A_127 = tpu.vector_load %arg20[%swap3A_125, %swap3A_126] {strides = array<i32>} : memref<40x128xf32, #tpu.memory_space<vmem>>, vector<1x16xf32>,
      %swap3A_128 = vector.shape_cast %swap3A_127 : vector<1x16xf32> to vector<16xf32>
      %swap3A_129 = vector.shape_cast %broadcast_in_dim3A_22 : vector<16xf32> to vector<1x16xf32>
      tpu.vector_store %arg20[%swap3A_125, %swap3A_126], %swap3A_129 {strides = array<i32>} : memref<40x128xf32, #tpu.memory_space<vmem>>, vector<1x16xf32>,
      %swap3A_130 = arith.index_cast %scan3A_89 : i32 to index
      %swap3A_131 = arith.constant 0 : index
      %swap3A_132 = tpu.vector_load %arg21[%swap3A_130, %swap3A_131] {strides = array<i32>} : memref<40x16xf32, #tpu.memory_space<vmem>>, vector<1x16xf32>,
      %swap3A_133 = vector.shape_cast %swap3A_132 : vector<1x16xf32> to vector<16xf32>
      %swap3A_134 = vector.shape_cast %broadcast_in_dim3A_22 : vector<16xf32> to vector<1x16xf32>
      tpu.vector_store %arg21[%swap3A_130, %swap3A_131], %swap3A_134 {strides = array<i32>} : memref<40x16xf32, #tpu.memory_space<vmem>>, vector<1x16xf32>,
      %scan3A_135 = arith.constant 0 : i32
      scf.yield %scan3A_135 : i32
    }
    %scan3A_28 = arith.constant 40 : i32
    %while3A = arith.constant 0 : i32
    %while3A_29 = arith.constant 0 : i32
    %while3A_30 = arith.subi %select_n3A, %while3A : i32
    %while3A_31 = arith.addi %while3A, %while3A_30 : i32
    %while3A_32 = arith.constant 1 : i32
    %while3A_33 = arith.divsi %while3A_30, %while3A_32 : i32
    %while3A_34 = arith.muli %while3A_33, %while3A_32 : i32
    %while3A_35 = arith.addi %while3A, %while3A_34 : i32
    %while3A_36 = arith.constant 1 : i32
    %while3A_37 = scf.for %while3A_89 = %while3A to %while3A_35 step %while3A_36 iter_args(%while3A_90 = %while3A_29) -> (i32)  : i32 {
      %mul3A_91 = arith.constant 40 : i32
      %mul3A_92 = arith.muli %while3A_89, %mul3A_91 : i32
      %add3A_93 = arith.addi %mul3A_2, %mul3A_92 : i32
      "tpu.region"() ({
        %run_scoped3A = tpu.sem_alloc : memref<!tpu.dma_semaphore, #tpu.memory_space<semaphore_mem>>
        %dma_start3A = arith.constant 0 : i32
        %dma_start3A_95 = tpu.memref_slice %arg23[%add3A_93, %dma_start3A] : memref<10000x128xf32, #tpu.memory_space<vmem_shared>> -> memref<40x128xf32, #tpu.memory_space<vmem_shared>>
        %dma_start3A_96 = arith.constant 0 : i32
        %dma_start3A_97 = tpu.memref_slice %arg23[%add3A_93, %dma_start3A_96] : memref<10000x128xf32, #tpu.memory_space<vmem_shared>> -> memref<40x128xf32, #tpu.memory_space<vmem_shared>>
        tpu.enqueue_dma source(%arg20 : memref<40x128xf32, #tpu.memory_space<vmem>>) target(%dma_start3A_97 : memref<40x128xf32, #tpu.memory_space<vmem_shared>>) target_semaphore(%run_scoped3A : memref<!tpu.dma_semaphore, #tpu.memory_space<semaphore_mem>>)
        %dma_wait3A = arith.constant 0 : i32
        %dma_wait3A_98 = tpu.memref_slice %arg23[%add3A_93, %dma_wait3A] : memref<10000x128xf32, #tpu.memory_space<vmem_shared>> -> memref<40x128xf32, #tpu.memory_space<vmem_shared>>
        %dma_wait3A_99 = arith.constant 0 : i32
        %dma_wait3A_100 = tpu.memref_slice %arg23[%add3A_93, %dma_wait3A_99] : memref<10000x128xf32, #tpu.memory_space<vmem_shared>> -> memref<40x128xf32, #tpu.memory_space<vmem_shared>>
        tpu.wait_dma2 semaphore(%run_scoped3A : memref<!tpu.dma_semaphore, #tpu.memory_space<semaphore_mem>>) src(%arg20 : memref<40x128xf32, #tpu.memory_space<vmem>>) dst(%dma_wait3A_100 : memref<40x128xf32, #tpu.memory_space<vmem_shared>>)
        tpu.yield
      }) : () -> ()
      "tpu.region"() ({
        %run_scoped3A = tpu.sem_alloc : memref<!tpu.dma_semaphore, #tpu.memory_space<semaphore_mem>>
        %dma_start3A = arith.constant 0 : i32
        %dma_start3A_95 = tpu.memref_slice %arg22[%add3A_93, %dma_start3A] : memref<10000x16xf32, #tpu.memory_space<vmem_shared>> -> memref<40x16xf32, #tpu.memory_space<vmem_shared>>
        %dma_start3A_96 = arith.constant 0 : i32
        %dma_start3A_97 = tpu.memref_slice %arg22[%add3A_93, %dma_start3A_96] : memref<10000x16xf32, #tpu.memory_space<vmem_shared>> -> memref<40x16xf32, #tpu.memory_space<vmem_shared>>
        tpu.enqueue_dma source(%arg21 : memref<40x16xf32, #tpu.memory_space<vmem>>) target(%dma_start3A_97 : memref<40x16xf32, #tpu.memory_space<vmem_shared>>) target_semaphore(%run_scoped3A : memref<!tpu.dma_semaphore, #tpu.memory_space<semaphore_mem>>)
        %dma_wait3A = arith.constant 0 : i32
        %dma_wait3A_98 = tpu.memref_slice %arg22[%add3A_93, %dma_wait3A] : memref<10000x16xf32, #tpu.memory_space<vmem_shared>> -> memref<40x16xf32, #tpu.memory_space<vmem_shared>>
        %dma_wait3A_99 = arith.constant 0 : i32
        %dma_wait3A_100 = tpu.memref_slice %arg22[%add3A_93, %dma_wait3A_99] : memref<10000x16xf32, #tpu.memory_space<vmem_shared>> -> memref<40x16xf32, #tpu.memory_space<vmem_shared>>
        tpu.wait_dma2 semaphore(%run_scoped3A : memref<!tpu.dma_semaphore, #tpu.memory_space<semaphore_mem>>) src(%arg21 : memref<40x16xf32, #tpu.memory_space<vmem>>) dst(%dma_wait3A_100 : memref<40x16xf32, #tpu.memory_space<vmem_shared>>)
        tpu.yield
      }) : () -> ()
      %while3A_94 = arith.constant 0 : i32
      scf.yield %while3A_94 : i32
    }
    %while3A_38 = arith.constant 1 : i32
    %while3A_39 = scf.for %while3A_89 = %while3A_35 to %while3A_31 step %while3A_38 iter_args(%while3A_90 = %while3A_37) -> (i32)  : i32 {
      %mul3A_91 = arith.constant 40 : i32
      %mul3A_92 = arith.muli %while3A_89, %mul3A_91 : i32
      %add3A_93 = arith.addi %mul3A_2, %mul3A_92 : i32
      "tpu.region"() ({
        %run_scoped3A = tpu.sem_alloc : memref<!tpu.dma_semaphore, #tpu.memory_space<semaphore_mem>>
        %dma_start3A = arith.constant 0 : i32
        %dma_start3A_95 = tpu.memref_slice %arg23[%add3A_93, %dma_start3A] : memref<10000x128xf32, #tpu.memory_space<vmem_shared>> -> memref<40x128xf32, #tpu.memory_space<vmem_shared>>
        %dma_start3A_96 = arith.constant 0 : i32
        %dma_start3A_97 = tpu.memref_slice %arg23[%add3A_93, %dma_start3A_96] : memref<10000x128xf32, #tpu.memory_space<vmem_shared>> -> memref<40x128xf32, #tpu.memory_space<vmem_shared>>
        tpu.enqueue_dma source(%arg20 : memref<40x128xf32, #tpu.memory_space<vmem>>) target(%dma_start3A_97 : memref<40x128xf32, #tpu.memory_space<vmem_shared>>) target_semaphore(%run_scoped3A : memref<!tpu.dma_semaphore, #tpu.memory_space<semaphore_mem>>)
        %dma_wait3A = arith.constant 0 : i32
        %dma_wait3A_98 = tpu.memref_slice %arg23[%add3A_93, %dma_wait3A] : memref<10000x128xf32, #tpu.memory_space<vmem_shared>> -> memref<40x128xf32, #tpu.memory_space<vmem_shared>>
        %dma_wait3A_99 = arith.constant 0 : i32
        %dma_wait3A_100 = tpu.memref_slice %arg23[%add3A_93, %dma_wait3A_99] : memref<10000x128xf32, #tpu.memory_space<vmem_shared>> -> memref<40x128xf32, #tpu.memory_space<vmem_shared>>
        tpu.wait_dma2 semaphore(%run_scoped3A : memref<!tpu.dma_semaphore, #tpu.memory_space<semaphore_mem>>) src(%arg20 : memref<40x128xf32, #tpu.memory_space<vmem>>) dst(%dma_wait3A_100 : memref<40x128xf32, #tpu.memory_space<vmem_shared>>)
        tpu.yield
      }) : () -> ()
      "tpu.region"() ({
        %run_scoped3A = tpu.sem_alloc : memref<!tpu.dma_semaphore, #tpu.memory_space<semaphore_mem>>
        %dma_start3A = arith.constant 0 : i32
        %dma_start3A_95 = tpu.memref_slice %arg22[%add3A_93, %dma_start3A] : memref<10000x16xf32, #tpu.memory_space<vmem_shared>> -> memref<40x16xf32, #tpu.memory_space<vmem_shared>>
        %dma_start3A_96 = arith.constant 0 : i32
        %dma_start3A_97 = tpu.memref_slice %arg22[%add3A_93, %dma_start3A_96] : memref<10000x16xf32, #tpu.memory_space<vmem_shared>> -> memref<40x16xf32, #tpu.memory_space<vmem_shared>>
        tpu.enqueue_dma source(%arg21 : memref<40x16xf32, #tpu.memory_space<vmem>>) target(%dma_start3A_97 : memref<40x16xf32, #tpu.memory_space<vmem_shared>>) target_semaphore(%run_scoped3A : memref<!tpu.dma_semaphore, #tpu.memory_space<semaphore_mem>>)
        %dma_wait3A = arith.constant 0 : i32
        %dma_wait3A_98 = tpu.memref_slice %arg22[%add3A_93, %dma_wait3A] : memref<10000x16xf32, #tpu.memory_space<vmem_shared>> -> memref<40x16xf32, #tpu.memory_space<vmem_shared>>
        %dma_wait3A_99 = arith.constant 0 : i32
        %dma_wait3A_100 = tpu.memref_slice %arg22[%add3A_93, %dma_wait3A_99] : memref<10000x16xf32, #tpu.memory_space<vmem_shared>> -> memref<40x16xf32, #tpu.memory_space<vmem_shared>>
        tpu.wait_dma2 semaphore(%run_scoped3A : memref<!tpu.dma_semaphore, #tpu.memory_space<semaphore_mem>>) src(%arg21 : memref<40x16xf32, #tpu.memory_space<vmem>>) dst(%dma_wait3A_100 : memref<40x16xf32, #tpu.memory_space<vmem_shared>>)
        tpu.yield
      }) : () -> ()
      %while3A_94 = arith.constant 0 : i32
      scf.yield %while3A_94 : i32
    }
    %barrier3A = arith.constant 0 : index
    tpu.barrier barrier_id(%barrier3A)
    %scan3A_40 = arith.constant 0 : i32
    %scan3A_41 = arith.constant 0 : i32
    %scan3A_42 = arith.constant 63 : i32
    %scan3A_43 = arith.addi %scan3A_41, %scan3A_42 : i32
    %scan3A_44 = arith.constant 1 : i32
    %scan3A_45 = scf.for %scan3A_89 = %scan3A_41 to %scan3A_43 step %scan3A_44 iter_args(%scan3A_90 = %scan3A_40) -> (i32)  : i32 {
      %mul3A_91 = arith.constant 16 : i32
      %mul3A_92 = arith.muli %scan3A_89, %mul3A_91 : i32
      %add3A_93 = arith.addi %mul3A_92, %arg1 : i32
      %lt3A = arith.constant 1000 : i32
      %lt3A_94 = arith.cmpi slt, %add3A_93, %lt3A : i32
      %convert_element_type3A = arith.extui %lt3A_94 : i1 to i32
      %cond3A = arith.constant 0 : i32
      %cond3A_95 = arith.cmpi ne, %convert_element_type3A, %cond3A : i32
      scf.if %cond3A_95 {
        %mul3A_97 = arith.constant 160 : i32
        %mul3A_98 = arith.muli %add3A_93, %mul3A_97 : i32
        "tpu.region"() ({
          %run_scoped3A = tpu.sem_alloc : memref<!tpu.dma_semaphore, #tpu.memory_space<semaphore_mem>>
          %dma_start3A = tpu.memref_slice %arg2[%mul3A_98] : memref<160000xi32, #tpu.memory_space<hbm>> -> memref<160xi32, #tpu.memory_space<hbm>>
          %dma_start3A_106 = tpu.memref_slice %arg2[%mul3A_98] : memref<160000xi32, #tpu.memory_space<hbm>> -> memref<160xi32, #tpu.memory_space<hbm>>
          tpu.enqueue_dma source(%dma_start3A_106 : memref<160xi32, #tpu.memory_space<hbm>>) target(%arg9 : memref<160xi32, #tpu.memory_space<vmem>>) target_semaphore(%run_scoped3A : memref<!tpu.dma_semaphore, #tpu.memory_space<semaphore_mem>>)
          %dma_wait3A = tpu.memref_slice %arg2[%mul3A_98] : memref<160000xi32, #tpu.memory_space<hbm>> -> memref<160xi32, #tpu.memory_space<hbm>>
          %dma_wait3A_107 = tpu.memref_slice %arg2[%mul3A_98] : memref<160000xi32, #tpu.memory_space<hbm>> -> memref<160xi32, #tpu.memory_space<hbm>>
          tpu.wait_dma2 semaphore(%run_scoped3A : memref<!tpu.dma_semaphore, #tpu.memory_space<semaphore_mem>>) src(%dma_wait3A_107 : memref<160xi32, #tpu.memory_space<hbm>>) dst(%arg9 : memref<160xi32, #tpu.memory_space<vmem>>)
          tpu.yield
        }) : () -> ()
        "tpu.region"() ({
          %run_scoped3A = tpu.sem_alloc : memref<!tpu.dma_semaphore, #tpu.memory_space<semaphore_mem>>
          %dma_start3A = tpu.memref_slice %arg3[%mul3A_98] : memref<160000xi32, #tpu.memory_space<hbm>> -> memref<160xi32, #tpu.memory_space<hbm>>
          %dma_start3A_106 = tpu.memref_slice %arg3[%mul3A_98] : memref<160000xi32, #tpu.memory_space<hbm>> -> memref<160xi32, #tpu.memory_space<hbm>>
          tpu.enqueue_dma source(%dma_start3A_106 : memref<160xi32, #tpu.memory_space<hbm>>) target(%arg10 : memref<160xi32, #tpu.memory_space<vmem>>) target_semaphore(%run_scoped3A : memref<!tpu.dma_semaphore, #tpu.memory_space<semaphore_mem>>)
          %dma_wait3A = tpu.memref_slice %arg3[%mul3A_98] : memref<160000xi32, #tpu.memory_space<hbm>> -> memref<160xi32, #tpu.memory_space<hbm>>
          %dma_wait3A_107 = tpu.memref_slice %arg3[%mul3A_98] : memref<160000xi32, #tpu.memory_space<hbm>> -> memref<160xi32, #tpu.memory_space<hbm>>
          tpu.wait_dma2 semaphore(%run_scoped3A : memref<!tpu.dma_semaphore, #tpu.memory_space<semaphore_mem>>) src(%dma_wait3A_107 : memref<160xi32, #tpu.memory_space<hbm>>) dst(%arg10 : memref<160xi32, #tpu.memory_space<vmem>>)
          tpu.yield
        }) : () -> ()
        "tpu.region"() ({
          %run_scoped3A = tpu.sem_alloc : memref<!tpu.dma_semaphore, #tpu.memory_space<semaphore_mem>>
          %dma_start3A = arith.constant 0 : i32
          %dma_start3A_106 = arith.constant 0 : i32
          %dma_start3A_107 = tpu.memref_slice %arg4[%dma_start3A, %dma_start3A_106] : memref<10000x16xf32, #tpu.memory_space<hbm>> -> memref<10000x16xf32, #tpu.memory_space<hbm>>
          tpu.enqueue_indirect_dma source(%dma_start3A_107 : memref<10000x16xf32, #tpu.memory_space<hbm>>) target(%arg11 : memref<160x16xf32, #tpu.memory_space<vmem>>) offsets(%arg9 : memref<160xi32, #tpu.memory_space<vmem>>) semaphore(%run_scoped3A : memref<!tpu.dma_semaphore, #tpu.memory_space<semaphore_mem>>)
          %dma_wait3A = arith.constant 0 : i32
          %dma_wait3A_108 = arith.constant 0 : i32
          %dma_wait3A_109 = tpu.memref_slice %arg4[%dma_wait3A, %dma_wait3A_108] : memref<10000x16xf32, #tpu.memory_space<hbm>> -> memref<10000x16xf32, #tpu.memory_space<hbm>>
          tpu.wait_indirect_dma semaphore(%run_scoped3A : memref<!tpu.dma_semaphore, #tpu.memory_space<semaphore_mem>>) src(%dma_wait3A_109 : memref<10000x16xf32, #tpu.memory_space<hbm>>) dst(%arg11 : memref<160x16xf32, #tpu.memory_space<vmem>>)
          tpu.yield
        }) : () -> ()
        "tpu.region"() ({
          %run_scoped3A = tpu.sem_alloc : memref<!tpu.dma_semaphore, #tpu.memory_space<semaphore_mem>>
          %dma_start3A = arith.constant 0 : i32
          %dma_start3A_106 = arith.constant 0 : i32
          %dma_start3A_107 = tpu.memref_slice %arg5[%dma_start3A, %dma_start3A_106] : memref<10000x16xf32, #tpu.memory_space<hbm>> -> memref<10000x16xf32, #tpu.memory_space<hbm>>
          tpu.enqueue_indirect_dma source(%dma_start3A_107 : memref<10000x16xf32, #tpu.memory_space<hbm>>) target(%arg12 : memref<160x16xf32, #tpu.memory_space<vmem>>) offsets(%arg10 : memref<160xi32, #tpu.memory_space<vmem>>) semaphore(%run_scoped3A : memref<!tpu.dma_semaphore, #tpu.memory_space<semaphore_mem>>)
          %dma_wait3A = arith.constant 0 : i32
          %dma_wait3A_108 = arith.constant 0 : i32
          %dma_wait3A_109 = tpu.memref_slice %arg5[%dma_wait3A, %dma_wait3A_108] : memref<10000x16xf32, #tpu.memory_space<hbm>> -> memref<10000x16xf32, #tpu.memory_space<hbm>>
          tpu.wait_indirect_dma semaphore(%run_scoped3A : memref<!tpu.dma_semaphore, #tpu.memory_space<semaphore_mem>>) src(%dma_wait3A_109 : memref<10000x16xf32, #tpu.memory_space<hbm>>) dst(%arg12 : memref<160x16xf32, #tpu.memory_space<vmem>>)
          tpu.yield
        }) : () -> ()
        %scan3A_99 = arith.constant 0 : i32
        %scan3A_100 = arith.constant 0 : i32
        %scan3A_101 = arith.constant 160 : i32
        %scan3A_102 = arith.addi %scan3A_100, %scan3A_101 : i32
        %scan3A_103 = arith.constant 1 : i32
        %scan3A_104 = scf.for %scan3A_106 = %scan3A_100 to %scan3A_102 step %scan3A_103 iter_args(%scan3A_107 = %scan3A_99) -> (i32)  : i32 {
          %get3A = arith.index_cast %scan3A_106 : i32 to index
          %get3A_108 = arith.constant 0 : index
          %get3A_109 = tpu.vector_load %arg11[%get3A, %get3A_108] {strides = array<i32>} : memref<160x16xf32, #tpu.memory_space<vmem>>, vector<1x16xf32>,
          %get3A_110 = vector.shape_cast %get3A_109 : vector<1x16xf32> to vector<16xf32>
          %get3A_111 = arith.index_cast %scan3A_106 : i32 to index
          %get3A_112 = arith.constant 0 : index
          %get3A_113 = tpu.vector_load %arg12[%get3A_111, %get3A_112] {strides = array<i32>} : memref<160x16xf32, #tpu.memory_space<vmem>>, vector<1x16xf32>,
          %get3A_114 = vector.shape_cast %get3A_113 : vector<1x16xf32> to vector<16xf32>
          %add3A_115 = arith.addf %get3A_110, %get3A_114 : vector<16xf32>
          %mul3A_116 = arith.constant 2.000000e-01 : f32
          %mul3A_117 = vector.broadcast %mul3A_116 : f32 to vector<16xf32>
          %mul3A_118 = arith.mulf %mul3A_117, %add3A_115 : vector<16xf32>
          %max3A = arith.maximumf %add3A_115, %mul3A_118 : vector<16xf32>
          %exp3A = math.exp %max3A : vector<16xf32>
          %swap3A = arith.index_cast %scan3A_106 : i32 to index
          %swap3A_119 = arith.constant 0 : index
          %swap3A_120 = tpu.vector_load %arg13[%swap3A, %swap3A_119] {strides = array<i32>} : memref<160x16xf32, #tpu.memory_space<vmem>>, vector<1x16xf32>,
          %swap3A_121 = vector.shape_cast %swap3A_120 : vector<1x16xf32> to vector<16xf32>
          %swap3A_122 = vector.shape_cast %exp3A : vector<16xf32> to vector<1x16xf32>
          tpu.vector_store %arg13[%swap3A, %swap3A_119], %swap3A_122 {strides = array<i32>} : memref<160x16xf32, #tpu.memory_space<vmem>>, vector<1x16xf32>,
          %scan3A_123 = arith.constant 0 : i32
          scf.yield %scan3A_123 : i32
        }
        %scan3A_105 = arith.constant 160 : i32
        "tpu.region"() ({
          %run_scoped3A = tpu.sem_alloc : memref<!tpu.dma_semaphore, #tpu.memory_space<semaphore_mem>>
          %dma_start3A = arith.constant 0 : i32
          %dma_start3A_106 = arith.constant 0 : i32
          %dma_start3A_107 = tpu.memref_slice %arg22[%dma_start3A, %dma_start3A_106] : memref<10000x16xf32, #tpu.memory_space<vmem_shared>> -> memref<10000x16xf32, #tpu.memory_space<vmem_shared>>
          tpu.enqueue_indirect_dma source(%arg13 : memref<160x16xf32, #tpu.memory_space<vmem>>) target(%dma_start3A_107 : memref<10000x16xf32, #tpu.memory_space<vmem_shared>>) offsets(%arg10 : memref<160xi32, #tpu.memory_space<vmem>>) semaphore(%run_scoped3A : memref<!tpu.dma_semaphore, #tpu.memory_space<semaphore_mem>>) {add = true}
          %dma_wait3A = arith.constant 0 : i32
          %dma_wait3A_108 = arith.constant 0 : i32
          %dma_wait3A_109 = tpu.memref_slice %arg22[%dma_wait3A, %dma_wait3A_108] : memref<10000x16xf32, #tpu.memory_space<vmem_shared>> -> memref<10000x16xf32, #tpu.memory_space<vmem_shared>>
          tpu.wait_indirect_dma semaphore(%run_scoped3A : memref<!tpu.dma_semaphore, #tpu.memory_space<semaphore_mem>>) src(%arg13 : memref<160x16xf32, #tpu.memory_space<vmem>>) dst(%dma_wait3A_109 : memref<10000x16xf32, #tpu.memory_space<vmem_shared>>)
          tpu.yield
        }) : () -> ()
        "tpu.region"() ({
          %run_scoped3A = tpu.sem_alloc : memref<!tpu.dma_semaphore, #tpu.memory_space<semaphore_mem>>
          %dma_start3A = arith.constant 0 : i32
          %dma_start3A_106 = tpu.memref_slice %arg8[%arg0, %mul3A_98, %dma_start3A] : memref<2x160000x16xf32, #tpu.memory_space<hbm>> -> memref<1x160x16xf32, #tpu.memory_space<hbm>>
          %dma_start3A_107 = tpu.memref_squeeze %dma_start3A_106 : memref<1x160x16xf32, #tpu.memory_space<hbm>> -> memref<160x16xf32, #tpu.memory_space<hbm>>
          %dma_start3A_108 = arith.constant 0 : i32
          %dma_start3A_109 = tpu.memref_slice %arg8[%arg0, %mul3A_98, %dma_start3A_108] : memref<2x160000x16xf32, #tpu.memory_space<hbm>> -> memref<1x160x16xf32, #tpu.memory_space<hbm>>
          %dma_start3A_110 = tpu.memref_squeeze %dma_start3A_109 : memref<1x160x16xf32, #tpu.memory_space<hbm>> -> memref<160x16xf32, #tpu.memory_space<hbm>>
          tpu.enqueue_dma source(%arg13 : memref<160x16xf32, #tpu.memory_space<vmem>>) target(%dma_start3A_110 : memref<160x16xf32, #tpu.memory_space<hbm>>) target_semaphore(%run_scoped3A : memref<!tpu.dma_semaphore, #tpu.memory_space<semaphore_mem>>)
          %dma_wait3A = arith.constant 0 : i32
          %dma_wait3A_111 = tpu.memref_slice %arg8[%arg0, %mul3A_98, %dma_wait3A] : memref<2x160000x16xf32, #tpu.memory_space<hbm>> -> memref<1x160x16xf32, #tpu.memory_space<hbm>>
          %dma_wait3A_112 = tpu.memref_squeeze %dma_wait3A_111 : memref<1x160x16xf32, #tpu.memory_space<hbm>> -> memref<160x16xf32, #tpu.memory_space<hbm>>
          %dma_wait3A_113 = arith.constant 0 : i32
          %dma_wait3A_114 = tpu.memref_slice %arg8[%arg0, %mul3A_98, %dma_wait3A_113] : memref<2x160000x16xf32, #tpu.memory_space<hbm>> -> memref<1x160x16xf32, #tpu.memory_space<hbm>>
          %dma_wait3A_115 = tpu.memref_squeeze %dma_wait3A_114 : memref<1x160x16xf32, #tpu.memory_space<hbm>> -> memref<160x16xf32, #tpu.memory_space<hbm>>
          tpu.wait_dma2 semaphore(%run_scoped3A : memref<!tpu.dma_semaphore, #tpu.memory_space<semaphore_mem>>) src(%arg13 : memref<160x16xf32, #tpu.memory_space<vmem>>) dst(%dma_wait3A_115 : memref<160x16xf32, #tpu.memory_space<hbm>>)
          tpu.yield
        }) : () -> ()
      } else {
      }
      %scan3A_96 = arith.constant 0 : i32
      scf.yield %scan3A_96 : i32
    }
    %scan3A_46 = arith.constant 63 : i32
    %barrier3A_47 = arith.constant 0 : index
    tpu.barrier barrier_id(%barrier3A_47)
    %while3A_48 = arith.constant 0 : i32
    %while3A_49 = arith.constant 0 : i32
    %while3A_50 = arith.subi %select_n3A, %while3A_48 : i32
    %while3A_51 = arith.addi %while3A_48, %while3A_50 : i32
    %while3A_52 = arith.constant 1 : i32
    %while3A_53 = arith.divsi %while3A_50, %while3A_52 : i32
    %while3A_54 = arith.muli %while3A_53, %while3A_52 : i32
    %while3A_55 = arith.addi %while3A_48, %while3A_54 : i32
    %while3A_56 = arith.constant 1 : i32
    %while3A_57 = scf.for %while3A_89 = %while3A_48 to %while3A_55 step %while3A_56 iter_args(%while3A_90 = %while3A_49) -> (i32)  : i32 {
      %mul3A_91 = arith.constant 40 : i32
      %mul3A_92 = arith.muli %while3A_89, %mul3A_91 : i32
      %add3A_93 = arith.addi %mul3A_2, %mul3A_92 : i32
      "tpu.region"() ({
        %run_scoped3A = tpu.sem_alloc : memref<!tpu.dma_semaphore, #tpu.memory_space<semaphore_mem>>
        %dma_start3A = arith.constant 0 : i32
        %dma_start3A_102 = tpu.memref_slice %arg22[%add3A_93, %dma_start3A] : memref<10000x16xf32, #tpu.memory_space<vmem_shared>> -> memref<40x16xf32, #tpu.memory_space<vmem_shared>>
        %dma_start3A_103 = arith.constant 0 : i32
        %dma_start3A_104 = tpu.memref_slice %arg22[%add3A_93, %dma_start3A_103] : memref<10000x16xf32, #tpu.memory_space<vmem_shared>> -> memref<40x16xf32, #tpu.memory_space<vmem_shared>>
        tpu.enqueue_dma source(%dma_start3A_104 : memref<40x16xf32, #tpu.memory_space<vmem_shared>>) target(%arg21 : memref<40x16xf32, #tpu.memory_space<vmem>>) target_semaphore(%run_scoped3A : memref<!tpu.dma_semaphore, #tpu.memory_space<semaphore_mem>>)
        %dma_wait3A = arith.constant 0 : i32
        %dma_wait3A_105 = tpu.memref_slice %arg22[%add3A_93, %dma_wait3A] : memref<10000x16xf32, #tpu.memory_space<vmem_shared>> -> memref<40x16xf32, #tpu.memory_space<vmem_shared>>
        %dma_wait3A_106 = arith.constant 0 : i32
        %dma_wait3A_107 = tpu.memref_slice %arg22[%add3A_93, %dma_wait3A_106] : memref<10000x16xf32, #tpu.memory_space<vmem_shared>> -> memref<40x16xf32, #tpu.memory_space<vmem_shared>>
        tpu.wait_dma2 semaphore(%run_scoped3A : memref<!tpu.dma_semaphore, #tpu.memory_space<semaphore_mem>>) src(%dma_wait3A_107 : memref<40x16xf32, #tpu.memory_space<vmem_shared>>) dst(%arg21 : memref<40x16xf32, #tpu.memory_space<vmem>>)
        tpu.yield
      }) : () -> ()
      %scan3A_94 = arith.constant 0 : i32
      %scan3A_95 = arith.constant 0 : i32
      %scan3A_96 = arith.constant 40 : i32
      %scan3A_97 = arith.addi %scan3A_95, %scan3A_96 : i32
      %scan3A_98 = arith.constant 1 : i32
      %scan3A_99 = scf.for %scan3A_102 = %scan3A_95 to %scan3A_97 step %scan3A_98 iter_args(%scan3A_103 = %scan3A_94) -> (i32)  : i32 {
        %get3A = arith.index_cast %scan3A_102 : i32 to index
        %get3A_104 = arith.constant 0 : index
        %get3A_105 = tpu.vector_load %arg21[%get3A, %get3A_104] {strides = array<i32>} : memref<40x16xf32, #tpu.memory_space<vmem>>, vector<1x16xf32>,
        %get3A_106 = vector.shape_cast %get3A_105 : vector<1x16xf32> to vector<16xf32>
        %add3A_107 = arith.constant 9.99999971E-10 : f32
        %add3A_108 = vector.broadcast %add3A_107 : f32 to vector<16xf32>
        %add3A_109 = arith.addf %get3A_106, %add3A_108 : vector<16xf32>
        %div3A_110 = arith.constant 2.500000e-01 : f32
        %div3A_111 = vector.broadcast %div3A_110 : f32 to vector<16xf32>
        %div3A_112 = arith.divf %div3A_111, %add3A_109 : vector<16xf32>
        %swap3A = arith.index_cast %scan3A_102 : i32 to index
        %swap3A_113 = arith.constant 0 : index
        %swap3A_114 = tpu.vector_load %arg21[%swap3A, %swap3A_113] {strides = array<i32>} : memref<40x16xf32, #tpu.memory_space<vmem>>, vector<1x16xf32>,
        %swap3A_115 = vector.shape_cast %swap3A_114 : vector<1x16xf32> to vector<16xf32>
        %swap3A_116 = vector.shape_cast %div3A_112 : vector<16xf32> to vector<1x16xf32>
        tpu.vector_store %arg21[%swap3A, %swap3A_113], %swap3A_116 {strides = array<i32>} : memref<40x16xf32, #tpu.memory_space<vmem>>, vector<1x16xf32>,
        %scan3A_117 = arith.constant 0 : i32
        scf.yield %scan3A_117 : i32
      }
      %scan3A_100 = arith.constant 40 : i32
      "tpu.region"() ({
        %run_scoped3A = tpu.sem_alloc : memref<!tpu.dma_semaphore, #tpu.memory_space<semaphore_mem>>
        %dma_start3A = arith.constant 0 : i32
        %dma_start3A_102 = tpu.memref_slice %arg22[%add3A_93, %dma_start3A] : memref<10000x16xf32, #tpu.memory_space<vmem_shared>> -> memref<40x16xf32, #tpu.memory_space<vmem_shared>>
        %dma_start3A_103 = arith.constant 0 : i32
        %dma_start3A_104 = tpu.memref_slice %arg22[%add3A_93, %dma_start3A_103] : memref<10000x16xf32, #tpu.memory_space<vmem_shared>> -> memref<40x16xf32, #tpu.memory_space<vmem_shared>>
        tpu.enqueue_dma source(%arg21 : memref<40x16xf32, #tpu.memory_space<vmem>>) target(%dma_start3A_104 : memref<40x16xf32, #tpu.memory_space<vmem_shared>>) target_semaphore(%run_scoped3A : memref<!tpu.dma_semaphore, #tpu.memory_space<semaphore_mem>>)
        %dma_wait3A = arith.constant 0 : i32
        %dma_wait3A_105 = tpu.memref_slice %arg22[%add3A_93, %dma_wait3A] : memref<10000x16xf32, #tpu.memory_space<vmem_shared>> -> memref<40x16xf32, #tpu.memory_space<vmem_shared>>
        %dma_wait3A_106 = arith.constant 0 : i32
        %dma_wait3A_107 = tpu.memref_slice %arg22[%add3A_93, %dma_wait3A_106] : memref<10000x16xf32, #tpu.memory_space<vmem_shared>> -> memref<40x16xf32, #tpu.memory_space<vmem_shared>>
        tpu.wait_dma2 semaphore(%run_scoped3A : memref<!tpu.dma_semaphore, #tpu.memory_space<semaphore_mem>>) src(%arg21 : memref<40x16xf32, #tpu.memory_space<vmem>>) dst(%dma_wait3A_107 : memref<40x16xf32, #tpu.memory_space<vmem_shared>>)
        tpu.yield
      }) : () -> ()
      %while3A_101 = arith.constant 0 : i32
      scf.yield %while3A_101 : i32
    }
    %while3A_58 = arith.constant 1 : i32
    %while3A_59 = scf.for %while3A_89 = %while3A_55 to %while3A_51 step %while3A_58 iter_args(%while3A_90 = %while3A_57) -> (i32)  : i32 {
      %mul3A_91 = arith.constant 40 : i32
      %mul3A_92 = arith.muli %while3A_89, %mul3A_91 : i32
      %add3A_93 = arith.addi %mul3A_2, %mul3A_92 : i32
      "tpu.region"() ({
        %run_scoped3A = tpu.sem_alloc : memref<!tpu.dma_semaphore, #tpu.memory_space<semaphore_mem>>
        %dma_start3A = arith.constant 0 : i32
        %dma_start3A_102 = tpu.memref_slice %arg22[%add3A_93, %dma_start3A] : memref<10000x16xf32, #tpu.memory_space<vmem_shared>> -> memref<40x16xf32, #tpu.memory_space<vmem_shared>>
        %dma_start3A_103 = arith.constant 0 : i32
        %dma_start3A_104 = tpu.memref_slice %arg22[%add3A_93, %dma_start3A_103] : memref<10000x16xf32, #tpu.memory_space<vmem_shared>> -> memref<40x16xf32, #tpu.memory_space<vmem_shared>>
        tpu.enqueue_dma source(%dma_start3A_104 : memref<40x16xf32, #tpu.memory_space<vmem_shared>>) target(%arg21 : memref<40x16xf32, #tpu.memory_space<vmem>>) target_semaphore(%run_scoped3A : memref<!tpu.dma_semaphore, #tpu.memory_space<semaphore_mem>>)
        %dma_wait3A = arith.constant 0 : i32
        %dma_wait3A_105 = tpu.memref_slice %arg22[%add3A_93, %dma_wait3A] : memref<10000x16xf32, #tpu.memory_space<vmem_shared>> -> memref<40x16xf32, #tpu.memory_space<vmem_shared>>
        %dma_wait3A_106 = arith.constant 0 : i32
        %dma_wait3A_107 = tpu.memref_slice %arg22[%add3A_93, %dma_wait3A_106] : memref<10000x16xf32, #tpu.memory_space<vmem_shared>> -> memref<40x16xf32, #tpu.memory_space<vmem_shared>>
        tpu.wait_dma2 semaphore(%run_scoped3A : memref<!tpu.dma_semaphore, #tpu.memory_space<semaphore_mem>>) src(%dma_wait3A_107 : memref<40x16xf32, #tpu.memory_space<vmem_shared>>) dst(%arg21 : memref<40x16xf32, #tpu.memory_space<vmem>>)
        tpu.yield
      }) : () -> ()
      %scan3A_94 = arith.constant 0 : i32
      %scan3A_95 = arith.constant 0 : i32
      %scan3A_96 = arith.constant 40 : i32
      %scan3A_97 = arith.addi %scan3A_95, %scan3A_96 : i32
      %scan3A_98 = arith.constant 1 : i32
      %scan3A_99 = scf.for %scan3A_102 = %scan3A_95 to %scan3A_97 step %scan3A_98 iter_args(%scan3A_103 = %scan3A_94) -> (i32)  : i32 {
        %get3A = arith.index_cast %scan3A_102 : i32 to index
        %get3A_104 = arith.constant 0 : index
        %get3A_105 = tpu.vector_load %arg21[%get3A, %get3A_104] {strides = array<i32>} : memref<40x16xf32, #tpu.memory_space<vmem>>, vector<1x16xf32>,
        %get3A_106 = vector.shape_cast %get3A_105 : vector<1x16xf32> to vector<16xf32>
        %add3A_107 = arith.constant 9.99999971E-10 : f32
        %add3A_108 = vector.broadcast %add3A_107 : f32 to vector<16xf32>
        %add3A_109 = arith.addf %get3A_106, %add3A_108 : vector<16xf32>
        %div3A_110 = arith.constant 2.500000e-01 : f32
        %div3A_111 = vector.broadcast %div3A_110 : f32 to vector<16xf32>
        %div3A_112 = arith.divf %div3A_111, %add3A_109 : vector<16xf32>
        %swap3A = arith.index_cast %scan3A_102 : i32 to index
        %swap3A_113 = arith.constant 0 : index
        %swap3A_114 = tpu.vector_load %arg21[%swap3A, %swap3A_113] {strides = array<i32>} : memref<40x16xf32, #tpu.memory_space<vmem>>, vector<1x16xf32>,
        %swap3A_115 = vector.shape_cast %swap3A_114 : vector<1x16xf32> to vector<16xf32>
        %swap3A_116 = vector.shape_cast %div3A_112 : vector<16xf32> to vector<1x16xf32>
        tpu.vector_store %arg21[%swap3A, %swap3A_113], %swap3A_116 {strides = array<i32>} : memref<40x16xf32, #tpu.memory_space<vmem>>, vector<1x16xf32>,
        %scan3A_117 = arith.constant 0 : i32
        scf.yield %scan3A_117 : i32
      }
      %scan3A_100 = arith.constant 40 : i32
      "tpu.region"() ({
        %run_scoped3A = tpu.sem_alloc : memref<!tpu.dma_semaphore, #tpu.memory_space<semaphore_mem>>
        %dma_start3A = arith.constant 0 : i32
        %dma_start3A_102 = tpu.memref_slice %arg22[%add3A_93, %dma_start3A] : memref<10000x16xf32, #tpu.memory_space<vmem_shared>> -> memref<40x16xf32, #tpu.memory_space<vmem_shared>>
        %dma_start3A_103 = arith.constant 0 : i32
        %dma_start3A_104 = tpu.memref_slice %arg22[%add3A_93, %dma_start3A_103] : memref<10000x16xf32, #tpu.memory_space<vmem_shared>> -> memref<40x16xf32, #tpu.memory_space<vmem_shared>>
        tpu.enqueue_dma source(%arg21 : memref<40x16xf32, #tpu.memory_space<vmem>>) target(%dma_start3A_104 : memref<40x16xf32, #tpu.memory_space<vmem_shared>>) target_semaphore(%run_scoped3A : memref<!tpu.dma_semaphore, #tpu.memory_space<semaphore_mem>>)
        %dma_wait3A = arith.constant 0 : i32
        %dma_wait3A_105 = tpu.memref_slice %arg22[%add3A_93, %dma_wait3A] : memref<10000x16xf32, #tpu.memory_space<vmem_shared>> -> memref<40x16xf32, #tpu.memory_space<vmem_shared>>
        %dma_wait3A_106 = arith.constant 0 : i32
        %dma_wait3A_107 = tpu.memref_slice %arg22[%add3A_93, %dma_wait3A_106] : memref<10000x16xf32, #tpu.memory_space<vmem_shared>> -> memref<40x16xf32, #tpu.memory_space<vmem_shared>>
        tpu.wait_dma2 semaphore(%run_scoped3A : memref<!tpu.dma_semaphore, #tpu.memory_space<semaphore_mem>>) src(%arg21 : memref<40x16xf32, #tpu.memory_space<vmem>>) dst(%dma_wait3A_107 : memref<40x16xf32, #tpu.memory_space<vmem_shared>>)
        tpu.yield
      }) : () -> ()
      %while3A_101 = arith.constant 0 : i32
      scf.yield %while3A_101 : i32
    }
    %barrier3A_60 = arith.constant 0 : index
    tpu.barrier barrier_id(%barrier3A_60)
    %broadcast_in_dim3A_61 = arith.constant 0 : i32
    %broadcast_in_dim3A_62 = vector.broadcast %broadcast_in_dim3A_61 : i32 to vector<16x1xi32>
    %broadcast_in_dim3A_63 = arith.constant 1 : i32
    %broadcast_in_dim3A_64 = vector.broadcast %broadcast_in_dim3A_63 : i32 to vector<16x1xi32>
    %broadcast_in_dim3A_65 = arith.constant 2 : i32
    %broadcast_in_dim3A_66 = vector.broadcast %broadcast_in_dim3A_65 : i32 to vector<16x1xi32>
    %broadcast_in_dim3A_67 = arith.constant 3 : i32
    %broadcast_in_dim3A_68 = vector.broadcast %broadcast_in_dim3A_67 : i32 to vector<16x1xi32>
    %scan3A_69 = arith.constant 0 : i32
    %scan3A_70 = arith.constant 0 : i32
    %scan3A_71 = arith.constant 79 : i32
    %scan3A_72 = arith.addi %scan3A_70, %scan3A_71 : i32
    %scan3A_73 = arith.constant 1 : i32
    %scan3A_74 = scf.for %scan3A_89 = %scan3A_70 to %scan3A_72 step %scan3A_73 iter_args(%scan3A_90 = %scan3A_69) -> (i32)  : i32 {
      %mul3A_91 = arith.constant 32 : i32
      %mul3A_92 = arith.muli %scan3A_89, %mul3A_91 : i32
      %add3A_93 = arith.addi %mul3A_92, %add3A : i32
      %lt3A = arith.constant 2500 : i32
      %lt3A_94 = arith.cmpi slt, %add3A_93, %lt3A : i32
      %convert_element_type3A = arith.extui %lt3A_94 : i1 to i32
      %cond3A = arith.constant 0 : i32
      %cond3A_95 = arith.cmpi ne, %convert_element_type3A, %cond3A : i32
      scf.if %cond3A_95 {
        %mul3A_97 = arith.constant 64 : i32
        %mul3A_98 = arith.muli %add3A_93, %mul3A_97 : i32
        "tpu.region"() ({
          %run_scoped3A = tpu.sem_alloc : memref<!tpu.dma_semaphore, #tpu.memory_space<semaphore_mem>>
          %dma_start3A = tpu.memref_slice %arg2[%mul3A_98] : memref<160000xi32, #tpu.memory_space<hbm>> -> memref<64xi32, #tpu.memory_space<hbm>>
          %dma_start3A_106 = tpu.memref_slice %arg2[%mul3A_98] : memref<160000xi32, #tpu.memory_space<hbm>> -> memref<64xi32, #tpu.memory_space<hbm>>
          tpu.enqueue_dma source(%dma_start3A_106 : memref<64xi32, #tpu.memory_space<hbm>>) target(%arg14 : memref<64xi32, #tpu.memory_space<vmem>>) target_semaphore(%run_scoped3A : memref<!tpu.dma_semaphore, #tpu.memory_space<semaphore_mem>>)
          %dma_wait3A = tpu.memref_slice %arg2[%mul3A_98] : memref<160000xi32, #tpu.memory_space<hbm>> -> memref<64xi32, #tpu.memory_space<hbm>>
          %dma_wait3A_107 = tpu.memref_slice %arg2[%mul3A_98] : memref<160000xi32, #tpu.memory_space<hbm>> -> memref<64xi32, #tpu.memory_space<hbm>>
          tpu.wait_dma2 semaphore(%run_scoped3A : memref<!tpu.dma_semaphore, #tpu.memory_space<semaphore_mem>>) src(%dma_wait3A_107 : memref<64xi32, #tpu.memory_space<hbm>>) dst(%arg14 : memref<64xi32, #tpu.memory_space<vmem>>)
          tpu.yield
        }) : () -> ()
        "tpu.region"() ({
          %run_scoped3A = tpu.sem_alloc : memref<!tpu.dma_semaphore, #tpu.memory_space<semaphore_mem>>
          %dma_start3A = tpu.memref_slice %arg3[%mul3A_98] : memref<160000xi32, #tpu.memory_space<hbm>> -> memref<64xi32, #tpu.memory_space<hbm>>
          %dma_start3A_106 = tpu.memref_slice %arg3[%mul3A_98] : memref<160000xi32, #tpu.memory_space<hbm>> -> memref<64xi32, #tpu.memory_space<hbm>>
          tpu.enqueue_dma source(%dma_start3A_106 : memref<64xi32, #tpu.memory_space<hbm>>) target(%arg15 : memref<64xi32, #tpu.memory_space<vmem>>) target_semaphore(%run_scoped3A : memref<!tpu.dma_semaphore, #tpu.memory_space<semaphore_mem>>)
          %dma_wait3A = tpu.memref_slice %arg3[%mul3A_98] : memref<160000xi32, #tpu.memory_space<hbm>> -> memref<64xi32, #tpu.memory_space<hbm>>
          %dma_wait3A_107 = tpu.memref_slice %arg3[%mul3A_98] : memref<160000xi32, #tpu.memory_space<hbm>> -> memref<64xi32, #tpu.memory_space<hbm>>
          tpu.wait_dma2 semaphore(%run_scoped3A : memref<!tpu.dma_semaphore, #tpu.memory_space<semaphore_mem>>) src(%dma_wait3A_107 : memref<64xi32, #tpu.memory_space<hbm>>) dst(%arg15 : memref<64xi32, #tpu.memory_space<vmem>>)
          tpu.yield
        }) : () -> ()
        "tpu.region"() ({
          %run_scoped3A = tpu.sem_alloc : memref<!tpu.dma_semaphore, #tpu.memory_space<semaphore_mem>>
          %dma_start3A = arith.constant 0 : i32
          %dma_start3A_106 = tpu.memref_slice %arg8[%arg0, %mul3A_98, %dma_start3A] : memref<2x160000x16xf32, #tpu.memory_space<hbm>> -> memref<1x64x16xf32, #tpu.memory_space<hbm>>
          %dma_start3A_107 = tpu.memref_squeeze %dma_start3A_106 : memref<1x64x16xf32, #tpu.memory_space<hbm>> -> memref<64x16xf32, #tpu.memory_space<hbm>>
          %dma_start3A_108 = arith.constant 0 : i32
          %dma_start3A_109 = tpu.memref_slice %arg8[%arg0, %mul3A_98, %dma_start3A_108] : memref<2x160000x16xf32, #tpu.memory_space<hbm>> -> memref<1x64x16xf32, #tpu.memory_space<hbm>>
          %dma_start3A_110 = tpu.memref_squeeze %dma_start3A_109 : memref<1x64x16xf32, #tpu.memory_space<hbm>> -> memref<64x16xf32, #tpu.memory_space<hbm>>
          tpu.enqueue_dma source(%dma_start3A_110 : memref<64x16xf32, #tpu.memory_space<hbm>>) target(%arg16 : memref<64x16xf32, #tpu.memory_space<vmem>>) target_semaphore(%run_scoped3A : memref<!tpu.dma_semaphore, #tpu.memory_space<semaphore_mem>>)
          %dma_wait3A = arith.constant 0 : i32
          %dma_wait3A_111 = tpu.memref_slice %arg8[%arg0, %mul3A_98, %dma_wait3A] : memref<2x160000x16xf32, #tpu.memory_space<hbm>> -> memref<1x64x16xf32, #tpu.memory_space<hbm>>
          %dma_wait3A_112 = tpu.memref_squeeze %dma_wait3A_111 : memref<1x64x16xf32, #tpu.memory_space<hbm>> -> memref<64x16xf32, #tpu.memory_space<hbm>>
          %dma_wait3A_113 = arith.constant 0 : i32
          %dma_wait3A_114 = tpu.memref_slice %arg8[%arg0, %mul3A_98, %dma_wait3A_113] : memref<2x160000x16xf32, #tpu.memory_space<hbm>> -> memref<1x64x16xf32, #tpu.memory_space<hbm>>
          %dma_wait3A_115 = tpu.memref_squeeze %dma_wait3A_114 : memref<1x64x16xf32, #tpu.memory_space<hbm>> -> memref<64x16xf32, #tpu.memory_space<hbm>>
          tpu.wait_dma2 semaphore(%run_scoped3A : memref<!tpu.dma_semaphore, #tpu.memory_space<semaphore_mem>>) src(%dma_wait3A_115 : memref<64x16xf32, #tpu.memory_space<hbm>>) dst(%arg16 : memref<64x16xf32, #tpu.memory_space<vmem>>)
          tpu.yield
        }) : () -> ()
        "tpu.region"() ({
          %run_scoped3A = tpu.sem_alloc : memref<!tpu.dma_semaphore, #tpu.memory_space<semaphore_mem>>
          %dma_start3A = arith.constant 0 : i32
          %dma_start3A_106 = arith.constant 0 : i32
          %dma_start3A_107 = tpu.memref_slice %arg22[%dma_start3A, %dma_start3A_106] : memref<10000x16xf32, #tpu.memory_space<vmem_shared>> -> memref<10000x16xf32, #tpu.memory_space<vmem_shared>>
          tpu.enqueue_indirect_dma source(%dma_start3A_107 : memref<10000x16xf32, #tpu.memory_space<vmem_shared>>) target(%arg17 : memref<64x16xf32, #tpu.memory_space<vmem>>) offsets(%arg15 : memref<64xi32, #tpu.memory_space<vmem>>) semaphore(%run_scoped3A : memref<!tpu.dma_semaphore, #tpu.memory_space<semaphore_mem>>)
          %dma_wait3A = arith.constant 0 : i32
          %dma_wait3A_108 = arith.constant 0 : i32
          %dma_wait3A_109 = tpu.memref_slice %arg22[%dma_wait3A, %dma_wait3A_108] : memref<10000x16xf32, #tpu.memory_space<vmem_shared>> -> memref<10000x16xf32, #tpu.memory_space<vmem_shared>>
          tpu.wait_indirect_dma semaphore(%run_scoped3A : memref<!tpu.dma_semaphore, #tpu.memory_space<semaphore_mem>>) src(%dma_wait3A_109 : memref<10000x16xf32, #tpu.memory_space<vmem_shared>>) dst(%arg17 : memref<64x16xf32, #tpu.memory_space<vmem>>)
          tpu.yield
        }) : () -> ()
        "tpu.region"() ({
          %run_scoped3A = tpu.sem_alloc : memref<!tpu.dma_semaphore, #tpu.memory_space<semaphore_mem>>
          %dma_start3A = arith.constant 0 : i32
          %dma_start3A_106 = arith.constant 0 : i32
          %dma_start3A_107 = tpu.memref_slice %arg6[%dma_start3A, %dma_start3A_106] : memref<10000x256xi32, #tpu.memory_space<hbm>> -> memref<10000x256xi32, #tpu.memory_space<hbm>>
          tpu.enqueue_indirect_dma source(%dma_start3A_107 : memref<10000x256xi32, #tpu.memory_space<hbm>>) target(%arg18 : memref<64x256xi32, #tpu.memory_space<vmem>>) offsets(%arg14 : memref<64xi32, #tpu.memory_space<vmem>>) semaphore(%run_scoped3A : memref<!tpu.dma_semaphore, #tpu.memory_space<semaphore_mem>>)
          %dma_wait3A = arith.constant 0 : i32
          %dma_wait3A_108 = arith.constant 0 : i32
          %dma_wait3A_109 = tpu.memref_slice %arg6[%dma_wait3A, %dma_wait3A_108] : memref<10000x256xi32, #tpu.memory_space<hbm>> -> memref<10000x256xi32, #tpu.memory_space<hbm>>
          tpu.wait_indirect_dma semaphore(%run_scoped3A : memref<!tpu.dma_semaphore, #tpu.memory_space<semaphore_mem>>) src(%dma_wait3A_109 : memref<10000x256xi32, #tpu.memory_space<hbm>>) dst(%arg18 : memref<64x256xi32, #tpu.memory_space<vmem>>)
          tpu.yield
        }) : () -> ()
        %scan3A_99 = arith.constant 0 : i32
        %scan3A_100 = arith.constant 0 : i32
        %scan3A_101 = arith.constant 64 : i32
        %scan3A_102 = arith.addi %scan3A_100, %scan3A_101 : i32
        %scan3A_103 = arith.constant 1 : i32
        %scan3A_104 = scf.for %scan3A_106 = %scan3A_100 to %scan3A_102 step %scan3A_103 iter_args(%scan3A_107 = %scan3A_99) -> (i32)  : i32 {
          %get3A = arith.index_cast %scan3A_106 : i32 to index
          %get3A_108 = arith.constant 0 : index
          %get3A_109 = tpu.vector_load %arg16[%get3A, %get3A_108] {strides = array<i32>} : memref<64x16xf32, #tpu.memory_space<vmem>>, vector<1x16xf32>,
          %get3A_110 = vector.shape_cast %get3A_109 : vector<1x16xf32> to vector<16xf32>
          %get3A_111 = arith.index_cast %scan3A_106 : i32 to index
          %get3A_112 = arith.constant 0 : index
          %get3A_113 = tpu.vector_load %arg17[%get3A_111, %get3A_112] {strides = array<i32>} : memref<64x16xf32, #tpu.memory_space<vmem>>, vector<1x16xf32>,
          %get3A_114 = vector.shape_cast %get3A_113 : vector<1x16xf32> to vector<16xf32>
          %mul3A_115 = arith.mulf %get3A_110, %get3A_114 : vector<16xf32>
          %gather3A = vector.shape_cast %broadcast_in_dim3A_62 : vector<16x1xi32> to vector<16xi32>
          %gather3A_116 = tpu.dynamic_gather %mul3A_115[%gather3A] in [0] : vector<16xf32>, vector<16xi32> -> vector<16xf32>
          %gather3A_117 = vector.shape_cast %broadcast_in_dim3A_64 : vector<16x1xi32> to vector<16xi32>
          %gather3A_118 = tpu.dynamic_gather %mul3A_115[%gather3A_117] in [0] : vector<16xf32>, vector<16xi32> -> vector<16xf32>
          %gather3A_119 = vector.shape_cast %broadcast_in_dim3A_66 : vector<16x1xi32> to vector<16xi32>
          %gather3A_120 = tpu.dynamic_gather %mul3A_115[%gather3A_119] in [0] : vector<16xf32>, vector<16xi32> -> vector<16xf32>
          %gather3A_121 = vector.shape_cast %broadcast_in_dim3A_68 : vector<16x1xi32> to vector<16xi32>
          %gather3A_122 = tpu.dynamic_gather %mul3A_115[%gather3A_121] in [0] : vector<16xf32>, vector<16xi32> -> vector<16xf32>
          %get3A_123 = arith.index_cast %scan3A_106 : i32 to index
          %get3A_124 = arith.constant 0 : index
          %get3A_125 = tpu.vector_load %arg18[%get3A_123, %get3A_124] {strides = array<i32>} : memref<64x256xi32, #tpu.memory_space<vmem>>, vector<1x16xi32>,
          %get3A_126 = vector.shape_cast %get3A_125 : vector<1x16xi32> to vector<16xi32>
          %shift_left3A = arith.constant 16 : i32
          %shift_left3A_127 = vector.broadcast %shift_left3A : i32 to vector<16xi32>
          %shift_left3A_128 = arith.shli %get3A_126, %shift_left3A_127 : vector<16xi32>
          %bitcast_convert_type3A = tpu.bitcast %shift_left3A_128 : vector<16xi32> -> vector<16xf32>
          %and3A_129 = arith.constant -65536 : i32
          %and3A_130 = vector.broadcast %and3A_129 : i32 to vector<16xi32>
          %and3A_131 = arith.andi %get3A_126, %and3A_130 : vector<16xi32>
          %bitcast_convert_type3A_132 = tpu.bitcast %and3A_131 : vector<16xi32> -> vector<16xf32>
          %mul3A_133 = arith.mulf %gather3A_116, %bitcast_convert_type3A : vector<16xf32>
          %mul3A_134 = arith.mulf %gather3A_116, %bitcast_convert_type3A_132 : vector<16xf32>
          %get3A_135 = arith.index_cast %scan3A_106 : i32 to index
          %get3A_136 = arith.constant 16 : index
          %get3A_137 = tpu.vector_load %arg18[%get3A_135, %get3A_136] {strides = array<i32>} : memref<64x256xi32, #tpu.memory_space<vmem>>, vector<1x16xi32>,
          %get3A_138 = vector.shape_cast %get3A_137 : vector<1x16xi32> to vector<16xi32>
          %shift_left3A_139 = arith.constant 16 : i32
          %shift_left3A_140 = vector.broadcast %shift_left3A_139 : i32 to vector<16xi32>
          %shift_left3A_141 = arith.shli %get3A_138, %shift_left3A_140 : vector<16xi32>
          %bitcast_convert_type3A_142 = tpu.bitcast %shift_left3A_141 : vector<16xi32> -> vector<16xf32>
          %and3A_143 = arith.constant -65536 : i32
          %and3A_144 = vector.broadcast %and3A_143 : i32 to vector<16xi32>
          %and3A_145 = arith.andi %get3A_138, %and3A_144 : vector<16xi32>
          %bitcast_convert_type3A_146 = tpu.bitcast %and3A_145 : vector<16xi32> -> vector<16xf32>
          %mul3A_147 = arith.mulf %gather3A_116, %bitcast_convert_type3A_142 : vector<16xf32>
          %mul3A_148 = arith.mulf %gather3A_116, %bitcast_convert_type3A_146 : vector<16xf32>
          %get3A_149 = arith.index_cast %scan3A_106 : i32 to index
          %get3A_150 = arith.constant 32 : index
          %get3A_151 = tpu.vector_load %arg18[%get3A_149, %get3A_150] {strides = array<i32>} : memref<64x256xi32, #tpu.memory_space<vmem>>, vector<1x16xi32>,
          %get3A_152 = vector.shape_cast %get3A_151 : vector<1x16xi32> to vector<16xi32>
          %shift_left3A_153 = arith.constant 16 : i32
          %shift_left3A_154 = vector.broadcast %shift_left3A_153 : i32 to vector<16xi32>
          %shift_left3A_155 = arith.shli %get3A_152, %shift_left3A_154 : vector<16xi32>
          %bitcast_convert_type3A_156 = tpu.bitcast %shift_left3A_155 : vector<16xi32> -> vector<16xf32>
          %and3A_157 = arith.constant -65536 : i32
          %and3A_158 = vector.broadcast %and3A_157 : i32 to vector<16xi32>
          %and3A_159 = arith.andi %get3A_152, %and3A_158 : vector<16xi32>
          %bitcast_convert_type3A_160 = tpu.bitcast %and3A_159 : vector<16xi32> -> vector<16xf32>
          %mul3A_161 = arith.mulf %gather3A_116, %bitcast_convert_type3A_156 : vector<16xf32>
          %mul3A_162 = arith.mulf %gather3A_116, %bitcast_convert_type3A_160 : vector<16xf32>
          %get3A_163 = arith.index_cast %scan3A_106 : i32 to index
          %get3A_164 = arith.constant 48 : index
          %get3A_165 = tpu.vector_load %arg18[%get3A_163, %get3A_164] {strides = array<i32>} : memref<64x256xi32, #tpu.memory_space<vmem>>, vector<1x16xi32>,
          %get3A_166 = vector.shape_cast %get3A_165 : vector<1x16xi32> to vector<16xi32>
          %shift_left3A_167 = arith.constant 16 : i32
          %shift_left3A_168 = vector.broadcast %shift_left3A_167 : i32 to vector<16xi32>
          %shift_left3A_169 = arith.shli %get3A_166, %shift_left3A_168 : vector<16xi32>
          %bitcast_convert_type3A_170 = tpu.bitcast %shift_left3A_169 : vector<16xi32> -> vector<16xf32>
          %and3A_171 = arith.constant -65536 : i32
          %and3A_172 = vector.broadcast %and3A_171 : i32 to vector<16xi32>
          %and3A_173 = arith.andi %get3A_166, %and3A_172 : vector<16xi32>
          %bitcast_convert_type3A_174 = tpu.bitcast %and3A_173 : vector<16xi32> -> vector<16xf32>
          %mul3A_175 = arith.mulf %gather3A_116, %bitcast_convert_type3A_170 : vector<16xf32>
          %mul3A_176 = arith.mulf %gather3A_116, %bitcast_convert_type3A_174 : vector<16xf32>
          %get3A_177 = arith.index_cast %scan3A_106 : i32 to index
          %get3A_178 = arith.constant 64 : index
          %get3A_179 = tpu.vector_load %arg18[%get3A_177, %get3A_178] {strides = array<i32>} : memref<64x256xi32, #tpu.memory_space<vmem>>, vector<1x16xi32>,
          %get3A_180 = vector.shape_cast %get3A_179 : vector<1x16xi32> to vector<16xi32>
          %shift_left3A_181 = arith.constant 16 : i32
          %shift_left3A_182 = vector.broadcast %shift_left3A_181 : i32 to vector<16xi32>
          %shift_left3A_183 = arith.shli %get3A_180, %shift_left3A_182 : vector<16xi32>
          %bitcast_convert_type3A_184 = tpu.bitcast %shift_left3A_183 : vector<16xi32> -> vector<16xf32>
          %and3A_185 = arith.constant -65536 : i32
          %and3A_186 = vector.broadcast %and3A_185 : i32 to vector<16xi32>
          %and3A_187 = arith.andi %get3A_180, %and3A_186 : vector<16xi32>
          %bitcast_convert_type3A_188 = tpu.bitcast %and3A_187 : vector<16xi32> -> vector<16xf32>
          %mul3A_189 = arith.mulf %gather3A_118, %bitcast_convert_type3A_184 : vector<16xf32>
          %add3A_190 = arith.addf %mul3A_133, %mul3A_189 : vector<16xf32>
          %mul3A_191 = arith.mulf %gather3A_118, %bitcast_convert_type3A_188 : vector<16xf32>
          %add3A_192 = arith.addf %mul3A_134, %mul3A_191 : vector<16xf32>
          %get3A_193 = arith.index_cast %scan3A_106 : i32 to index
          %get3A_194 = arith.constant 80 : index
          %get3A_195 = tpu.vector_load %arg18[%get3A_193, %get3A_194] {strides = array<i32>} : memref<64x256xi32, #tpu.memory_space<vmem>>, vector<1x16xi32>,
          %get3A_196 = vector.shape_cast %get3A_195 : vector<1x16xi32> to vector<16xi32>
          %shift_left3A_197 = arith.constant 16 : i32
          %shift_left3A_198 = vector.broadcast %shift_left3A_197 : i32 to vector<16xi32>
          %shift_left3A_199 = arith.shli %get3A_196, %shift_left3A_198 : vector<16xi32>
          %bitcast_convert_type3A_200 = tpu.bitcast %shift_left3A_199 : vector<16xi32> -> vector<16xf32>
          %and3A_201 = arith.constant -65536 : i32
          %and3A_202 = vector.broadcast %and3A_201 : i32 to vector<16xi32>
          %and3A_203 = arith.andi %get3A_196, %and3A_202 : vector<16xi32>
          %bitcast_convert_type3A_204 = tpu.bitcast %and3A_203 : vector<16xi32> -> vector<16xf32>
          %mul3A_205 = arith.mulf %gather3A_118, %bitcast_convert_type3A_200 : vector<16xf32>
          %add3A_206 = arith.addf %mul3A_147, %mul3A_205 : vector<16xf32>
          %mul3A_207 = arith.mulf %gather3A_118, %bitcast_convert_type3A_204 : vector<16xf32>
          %add3A_208 = arith.addf %mul3A_148, %mul3A_207 : vector<16xf32>
          %get3A_209 = arith.index_cast %scan3A_106 : i32 to index
          %get3A_210 = arith.constant 96 : index
          %get3A_211 = tpu.vector_load %arg18[%get3A_209, %get3A_210] {strides = array<i32>} : memref<64x256xi32, #tpu.memory_space<vmem>>, vector<1x16xi32>,
          %get3A_212 = vector.shape_cast %get3A_211 : vector<1x16xi32> to vector<16xi32>
          %shift_left3A_213 = arith.constant 16 : i32
          %shift_left3A_214 = vector.broadcast %shift_left3A_213 : i32 to vector<16xi32>
          %shift_left3A_215 = arith.shli %get3A_212, %shift_left3A_214 : vector<16xi32>
          %bitcast_convert_type3A_216 = tpu.bitcast %shift_left3A_215 : vector<16xi32> -> vector<16xf32>
          %and3A_217 = arith.constant -65536 : i32
          %and3A_218 = vector.broadcast %and3A_217 : i32 to vector<16xi32>
          %and3A_219 = arith.andi %get3A_212, %and3A_218 : vector<16xi32>
          %bitcast_convert_type3A_220 = tpu.bitcast %and3A_219 : vector<16xi32> -> vector<16xf32>
          %mul3A_221 = arith.mulf %gather3A_118, %bitcast_convert_type3A_216 : vector<16xf32>
          %add3A_222 = arith.addf %mul3A_161, %mul3A_221 : vector<16xf32>
          %mul3A_223 = arith.mulf %gather3A_118, %bitcast_convert_type3A_220 : vector<16xf32>
          %add3A_224 = arith.addf %mul3A_162, %mul3A_223 : vector<16xf32>
          %get3A_225 = arith.index_cast %scan3A_106 : i32 to index
          %get3A_226 = arith.constant 112 : index
          %get3A_227 = tpu.vector_load %arg18[%get3A_225, %get3A_226] {strides = array<i32>} : memref<64x256xi32, #tpu.memory_space<vmem>>, vector<1x16xi32>,
          %get3A_228 = vector.shape_cast %get3A_227 : vector<1x16xi32> to vector<16xi32>
          %shift_left3A_229 = arith.constant 16 : i32
          %shift_left3A_230 = vector.broadcast %shift_left3A_229 : i32 to vector<16xi32>
          %shift_left3A_231 = arith.shli %get3A_228, %shift_left3A_230 : vector<16xi32>
          %bitcast_convert_type3A_232 = tpu.bitcast %shift_left3A_231 : vector<16xi32> -> vector<16xf32>
          %and3A_233 = arith.constant -65536 : i32
          %and3A_234 = vector.broadcast %and3A_233 : i32 to vector<16xi32>
          %and3A_235 = arith.andi %get3A_228, %and3A_234 : vector<16xi32>
          %bitcast_convert_type3A_236 = tpu.bitcast %and3A_235 : vector<16xi32> -> vector<16xf32>
          %mul3A_237 = arith.mulf %gather3A_118, %bitcast_convert_type3A_232 : vector<16xf32>
          %add3A_238 = arith.addf %mul3A_175, %mul3A_237 : vector<16xf32>
          %mul3A_239 = arith.mulf %gather3A_118, %bitcast_convert_type3A_236 : vector<16xf32>
          %add3A_240 = arith.addf %mul3A_176, %mul3A_239 : vector<16xf32>
          %get3A_241 = arith.index_cast %scan3A_106 : i32 to index
          %get3A_242 = arith.constant 128 : index
          %get3A_243 = tpu.vector_load %arg18[%get3A_241, %get3A_242] {strides = array<i32>} : memref<64x256xi32, #tpu.memory_space<vmem>>, vector<1x16xi32>,
          %get3A_244 = vector.shape_cast %get3A_243 : vector<1x16xi32> to vector<16xi32>
          %shift_left3A_245 = arith.constant 16 : i32
          %shift_left3A_246 = vector.broadcast %shift_left3A_245 : i32 to vector<16xi32>
          %shift_left3A_247 = arith.shli %get3A_244, %shift_left3A_246 : vector<16xi32>
          %bitcast_convert_type3A_248 = tpu.bitcast %shift_left3A_247 : vector<16xi32> -> vector<16xf32>
          %and3A_249 = arith.constant -65536 : i32
          %and3A_250 = vector.broadcast %and3A_249 : i32 to vector<16xi32>
          %and3A_251 = arith.andi %get3A_244, %and3A_250 : vector<16xi32>
          %bitcast_convert_type3A_252 = tpu.bitcast %and3A_251 : vector<16xi32> -> vector<16xf32>
          %mul3A_253 = arith.mulf %gather3A_120, %bitcast_convert_type3A_248 : vector<16xf32>
          %add3A_254 = arith.addf %add3A_190, %mul3A_253 : vector<16xf32>
          %mul3A_255 = arith.mulf %gather3A_120, %bitcast_convert_type3A_252 : vector<16xf32>
          %add3A_256 = arith.addf %add3A_192, %mul3A_255 : vector<16xf32>
          %get3A_257 = arith.index_cast %scan3A_106 : i32 to index
          %get3A_258 = arith.constant 144 : index
          %get3A_259 = tpu.vector_load %arg18[%get3A_257, %get3A_258] {strides = array<i32>} : memref<64x256xi32, #tpu.memory_space<vmem>>, vector<1x16xi32>,
          %get3A_260 = vector.shape_cast %get3A_259 : vector<1x16xi32> to vector<16xi32>
          %shift_left3A_261 = arith.constant 16 : i32
          %shift_left3A_262 = vector.broadcast %shift_left3A_261 : i32 to vector<16xi32>
          %shift_left3A_263 = arith.shli %get3A_260, %shift_left3A_262 : vector<16xi32>
          %bitcast_convert_type3A_264 = tpu.bitcast %shift_left3A_263 : vector<16xi32> -> vector<16xf32>
          %and3A_265 = arith.constant -65536 : i32
          %and3A_266 = vector.broadcast %and3A_265 : i32 to vector<16xi32>
          %and3A_267 = arith.andi %get3A_260, %and3A_266 : vector<16xi32>
          %bitcast_convert_type3A_268 = tpu.bitcast %and3A_267 : vector<16xi32> -> vector<16xf32>
          %mul3A_269 = arith.mulf %gather3A_120, %bitcast_convert_type3A_264 : vector<16xf32>
          %add3A_270 = arith.addf %add3A_206, %mul3A_269 : vector<16xf32>
          %mul3A_271 = arith.mulf %gather3A_120, %bitcast_convert_type3A_268 : vector<16xf32>
          %add3A_272 = arith.addf %add3A_208, %mul3A_271 : vector<16xf32>
          %get3A_273 = arith.index_cast %scan3A_106 : i32 to index
          %get3A_274 = arith.constant 160 : index
          %get3A_275 = tpu.vector_load %arg18[%get3A_273, %get3A_274] {strides = array<i32>} : memref<64x256xi32, #tpu.memory_space<vmem>>, vector<1x16xi32>,
          %get3A_276 = vector.shape_cast %get3A_275 : vector<1x16xi32> to vector<16xi32>
          %shift_left3A_277 = arith.constant 16 : i32
          %shift_left3A_278 = vector.broadcast %shift_left3A_277 : i32 to vector<16xi32>
          %shift_left3A_279 = arith.shli %get3A_276, %shift_left3A_278 : vector<16xi32>
          %bitcast_convert_type3A_280 = tpu.bitcast %shift_left3A_279 : vector<16xi32> -> vector<16xf32>
          %and3A_281 = arith.constant -65536 : i32
          %and3A_282 = vector.broadcast %and3A_281 : i32 to vector<16xi32>
          %and3A_283 = arith.andi %get3A_276, %and3A_282 : vector<16xi32>
          %bitcast_convert_type3A_284 = tpu.bitcast %and3A_283 : vector<16xi32> -> vector<16xf32>
          %mul3A_285 = arith.mulf %gather3A_120, %bitcast_convert_type3A_280 : vector<16xf32>
          %add3A_286 = arith.addf %add3A_222, %mul3A_285 : vector<16xf32>
          %mul3A_287 = arith.mulf %gather3A_120, %bitcast_convert_type3A_284 : vector<16xf32>
          %add3A_288 = arith.addf %add3A_224, %mul3A_287 : vector<16xf32>
          %get3A_289 = arith.index_cast %scan3A_106 : i32 to index
          %get3A_290 = arith.constant 176 : index
          %get3A_291 = tpu.vector_load %arg18[%get3A_289, %get3A_290] {strides = array<i32>} : memref<64x256xi32, #tpu.memory_space<vmem>>, vector<1x16xi32>,
          %get3A_292 = vector.shape_cast %get3A_291 : vector<1x16xi32> to vector<16xi32>
          %shift_left3A_293 = arith.constant 16 : i32
          %shift_left3A_294 = vector.broadcast %shift_left3A_293 : i32 to vector<16xi32>
          %shift_left3A_295 = arith.shli %get3A_292, %shift_left3A_294 : vector<16xi32>
          %bitcast_convert_type3A_296 = tpu.bitcast %shift_left3A_295 : vector<16xi32> -> vector<16xf32>
          %and3A_297 = arith.constant -65536 : i32
          %and3A_298 = vector.broadcast %and3A_297 : i32 to vector<16xi32>
          %and3A_299 = arith.andi %get3A_292, %and3A_298 : vector<16xi32>
          %bitcast_convert_type3A_300 = tpu.bitcast %and3A_299 : vector<16xi32> -> vector<16xf32>
          %mul3A_301 = arith.mulf %gather3A_120, %bitcast_convert_type3A_296 : vector<16xf32>
          %add3A_302 = arith.addf %add3A_238, %mul3A_301 : vector<16xf32>
          %mul3A_303 = arith.mulf %gather3A_120, %bitcast_convert_type3A_300 : vector<16xf32>
          %add3A_304 = arith.addf %add3A_240, %mul3A_303 : vector<16xf32>
          %get3A_305 = arith.index_cast %scan3A_106 : i32 to index
          %get3A_306 = arith.constant 192 : index
          %get3A_307 = tpu.vector_load %arg18[%get3A_305, %get3A_306] {strides = array<i32>} : memref<64x256xi32, #tpu.memory_space<vmem>>, vector<1x16xi32>,
          %get3A_308 = vector.shape_cast %get3A_307 : vector<1x16xi32> to vector<16xi32>
          %shift_left3A_309 = arith.constant 16 : i32
          %shift_left3A_310 = vector.broadcast %shift_left3A_309 : i32 to vector<16xi32>
          %shift_left3A_311 = arith.shli %get3A_308, %shift_left3A_310 : vector<16xi32>
          %bitcast_convert_type3A_312 = tpu.bitcast %shift_left3A_311 : vector<16xi32> -> vector<16xf32>
          %and3A_313 = arith.constant -65536 : i32
          %and3A_314 = vector.broadcast %and3A_313 : i32 to vector<16xi32>
          %and3A_315 = arith.andi %get3A_308, %and3A_314 : vector<16xi32>
          %bitcast_convert_type3A_316 = tpu.bitcast %and3A_315 : vector<16xi32> -> vector<16xf32>
          %mul3A_317 = arith.mulf %gather3A_122, %bitcast_convert_type3A_312 : vector<16xf32>
          %add3A_318 = arith.addf %add3A_254, %mul3A_317 : vector<16xf32>
          %mul3A_319 = arith.mulf %gather3A_122, %bitcast_convert_type3A_316 : vector<16xf32>
          %add3A_320 = arith.addf %add3A_256, %mul3A_319 : vector<16xf32>
          %get3A_321 = arith.index_cast %scan3A_106 : i32 to index
          %get3A_322 = arith.constant 208 : index
          %get3A_323 = tpu.vector_load %arg18[%get3A_321, %get3A_322] {strides = array<i32>} : memref<64x256xi32, #tpu.memory_space<vmem>>, vector<1x16xi32>,
          %get3A_324 = vector.shape_cast %get3A_323 : vector<1x16xi32> to vector<16xi32>
          %shift_left3A_325 = arith.constant 16 : i32
          %shift_left3A_326 = vector.broadcast %shift_left3A_325 : i32 to vector<16xi32>
          %shift_left3A_327 = arith.shli %get3A_324, %shift_left3A_326 : vector<16xi32>
          %bitcast_convert_type3A_328 = tpu.bitcast %shift_left3A_327 : vector<16xi32> -> vector<16xf32>
          %and3A_329 = arith.constant -65536 : i32
          %and3A_330 = vector.broadcast %and3A_329 : i32 to vector<16xi32>
          %and3A_331 = arith.andi %get3A_324, %and3A_330 : vector<16xi32>
          %bitcast_convert_type3A_332 = tpu.bitcast %and3A_331 : vector<16xi32> -> vector<16xf32>
          %mul3A_333 = arith.mulf %gather3A_122, %bitcast_convert_type3A_328 : vector<16xf32>
          %add3A_334 = arith.addf %add3A_270, %mul3A_333 : vector<16xf32>
          %mul3A_335 = arith.mulf %gather3A_122, %bitcast_convert_type3A_332 : vector<16xf32>
          %add3A_336 = arith.addf %add3A_272, %mul3A_335 : vector<16xf32>
          %get3A_337 = arith.index_cast %scan3A_106 : i32 to index
          %get3A_338 = arith.constant 224 : index
          %get3A_339 = tpu.vector_load %arg18[%get3A_337, %get3A_338] {strides = array<i32>} : memref<64x256xi32, #tpu.memory_space<vmem>>, vector<1x16xi32>,
          %get3A_340 = vector.shape_cast %get3A_339 : vector<1x16xi32> to vector<16xi32>
          %shift_left3A_341 = arith.constant 16 : i32
          %shift_left3A_342 = vector.broadcast %shift_left3A_341 : i32 to vector<16xi32>
          %shift_left3A_343 = arith.shli %get3A_340, %shift_left3A_342 : vector<16xi32>
          %bitcast_convert_type3A_344 = tpu.bitcast %shift_left3A_343 : vector<16xi32> -> vector<16xf32>
          %and3A_345 = arith.constant -65536 : i32
          %and3A_346 = vector.broadcast %and3A_345 : i32 to vector<16xi32>
          %and3A_347 = arith.andi %get3A_340, %and3A_346 : vector<16xi32>
          %bitcast_convert_type3A_348 = tpu.bitcast %and3A_347 : vector<16xi32> -> vector<16xf32>
          %mul3A_349 = arith.mulf %gather3A_122, %bitcast_convert_type3A_344 : vector<16xf32>
          %add3A_350 = arith.addf %add3A_286, %mul3A_349 : vector<16xf32>
          %mul3A_351 = arith.mulf %gather3A_122, %bitcast_convert_type3A_348 : vector<16xf32>
          %add3A_352 = arith.addf %add3A_288, %mul3A_351 : vector<16xf32>
          %get3A_353 = arith.index_cast %scan3A_106 : i32 to index
          %get3A_354 = arith.constant 240 : index
          %get3A_355 = tpu.vector_load %arg18[%get3A_353, %get3A_354] {strides = array<i32>} : memref<64x256xi32, #tpu.memory_space<vmem>>, vector<1x16xi32>,
          %get3A_356 = vector.shape_cast %get3A_355 : vector<1x16xi32> to vector<16xi32>
          %shift_left3A_357 = arith.constant 16 : i32
          %shift_left3A_358 = vector.broadcast %shift_left3A_357 : i32 to vector<16xi32>
          %shift_left3A_359 = arith.shli %get3A_356, %shift_left3A_358 : vector<16xi32>
          %bitcast_convert_type3A_360 = tpu.bitcast %shift_left3A_359 : vector<16xi32> -> vector<16xf32>
          %and3A_361 = arith.constant -65536 : i32
          %and3A_362 = vector.broadcast %and3A_361 : i32 to vector<16xi32>
          %and3A_363 = arith.andi %get3A_356, %and3A_362 : vector<16xi32>
          %bitcast_convert_type3A_364 = tpu.bitcast %and3A_363 : vector<16xi32> -> vector<16xf32>
          %mul3A_365 = arith.mulf %gather3A_122, %bitcast_convert_type3A_360 : vector<16xf32>
          %add3A_366 = arith.addf %add3A_302, %mul3A_365 : vector<16xf32>
          %mul3A_367 = arith.mulf %gather3A_122, %bitcast_convert_type3A_364 : vector<16xf32>
          %add3A_368 = arith.addf %add3A_304, %mul3A_367 : vector<16xf32>
          %swap3A = arith.index_cast %scan3A_106 : i32 to index
          %swap3A_369 = arith.constant 0 : index
          %swap3A_370 = tpu.vector_load %arg19[%swap3A, %swap3A_369] {strides = array<i32>} : memref<64x128xf32, #tpu.memory_space<vmem>>, vector<1x16xf32>,
          %swap3A_371 = vector.shape_cast %swap3A_370 : vector<1x16xf32> to vector<16xf32>
          %swap3A_372 = vector.shape_cast %add3A_318 : vector<16xf32> to vector<1x16xf32>
          tpu.vector_store %arg19[%swap3A, %swap3A_369], %swap3A_372 {strides = array<i32>} : memref<64x128xf32, #tpu.memory_space<vmem>>, vector<1x16xf32>,
          %swap3A_373 = arith.index_cast %scan3A_106 : i32 to index
          %swap3A_374 = arith.constant 16 : index
          %swap3A_375 = tpu.vector_load %arg19[%swap3A_373, %swap3A_374] {strides = array<i32>} : memref<64x128xf32, #tpu.memory_space<vmem>>, vector<1x16xf32>,
          %swap3A_376 = vector.shape_cast %swap3A_375 : vector<1x16xf32> to vector<16xf32>
          %swap3A_377 = vector.shape_cast %add3A_320 : vector<16xf32> to vector<1x16xf32>
          tpu.vector_store %arg19[%swap3A_373, %swap3A_374], %swap3A_377 {strides = array<i32>} : memref<64x128xf32, #tpu.memory_space<vmem>>, vector<1x16xf32>,
          %swap3A_378 = arith.index_cast %scan3A_106 : i32 to index
          %swap3A_379 = arith.constant 32 : index
          %swap3A_380 = tpu.vector_load %arg19[%swap3A_378, %swap3A_379] {strides = array<i32>} : memref<64x128xf32, #tpu.memory_space<vmem>>, vector<1x16xf32>,
          %swap3A_381 = vector.shape_cast %swap3A_380 : vector<1x16xf32> to vector<16xf32>
          %swap3A_382 = vector.shape_cast %add3A_334 : vector<16xf32> to vector<1x16xf32>
          tpu.vector_store %arg19[%swap3A_378, %swap3A_379], %swap3A_382 {strides = array<i32>} : memref<64x128xf32, #tpu.memory_space<vmem>>, vector<1x16xf32>,
          %swap3A_383 = arith.index_cast %scan3A_106 : i32 to index
          %swap3A_384 = arith.constant 48 : index
          %swap3A_385 = tpu.vector_load %arg19[%swap3A_383, %swap3A_384] {strides = array<i32>} : memref<64x128xf32, #tpu.memory_space<vmem>>, vector<1x16xf32>,
          %swap3A_386 = vector.shape_cast %swap3A_385 : vector<1x16xf32> to vector<16xf32>
          %swap3A_387 = vector.shape_cast %add3A_336 : vector<16xf32> to vector<1x16xf32>
          tpu.vector_store %arg19[%swap3A_383, %swap3A_384], %swap3A_387 {strides = array<i32>} : memref<64x128xf32, #tpu.memory_space<vmem>>, vector<1x16xf32>,
          %swap3A_388 = arith.index_cast %scan3A_106 : i32 to index
          %swap3A_389 = arith.constant 64 : index
          %swap3A_390 = tpu.vector_load %arg19[%swap3A_388, %swap3A_389] {strides = array<i32>} : memref<64x128xf32, #tpu.memory_space<vmem>>, vector<1x16xf32>,
          %swap3A_391 = vector.shape_cast %swap3A_390 : vector<1x16xf32> to vector<16xf32>
          %swap3A_392 = vector.shape_cast %add3A_350 : vector<16xf32> to vector<1x16xf32>
          tpu.vector_store %arg19[%swap3A_388, %swap3A_389], %swap3A_392 {strides = array<i32>} : memref<64x128xf32, #tpu.memory_space<vmem>>, vector<1x16xf32>,
          %swap3A_393 = arith.index_cast %scan3A_106 : i32 to index
          %swap3A_394 = arith.constant 80 : index
          %swap3A_395 = tpu.vector_load %arg19[%swap3A_393, %swap3A_394] {strides = array<i32>} : memref<64x128xf32, #tpu.memory_space<vmem>>, vector<1x16xf32>,
          %swap3A_396 = vector.shape_cast %swap3A_395 : vector<1x16xf32> to vector<16xf32>
          %swap3A_397 = vector.shape_cast %add3A_352 : vector<16xf32> to vector<1x16xf32>
          tpu.vector_store %arg19[%swap3A_393, %swap3A_394], %swap3A_397 {strides = array<i32>} : memref<64x128xf32, #tpu.memory_space<vmem>>, vector<1x16xf32>,
          %swap3A_398 = arith.index_cast %scan3A_106 : i32 to index
          %swap3A_399 = arith.constant 96 : index
          %swap3A_400 = tpu.vector_load %arg19[%swap3A_398, %swap3A_399] {strides = array<i32>} : memref<64x128xf32, #tpu.memory_space<vmem>>, vector<1x16xf32>,
          %swap3A_401 = vector.shape_cast %swap3A_400 : vector<1x16xf32> to vector<16xf32>
          %swap3A_402 = vector.shape_cast %add3A_366 : vector<16xf32> to vector<1x16xf32>
          tpu.vector_store %arg19[%swap3A_398, %swap3A_399], %swap3A_402 {strides = array<i32>} : memref<64x128xf32, #tpu.memory_space<vmem>>, vector<1x16xf32>,
          %swap3A_403 = arith.index_cast %scan3A_106 : i32 to index
          %swap3A_404 = arith.constant 112 : index
          %swap3A_405 = tpu.vector_load %arg19[%swap3A_403, %swap3A_404] {strides = array<i32>} : memref<64x128xf32, #tpu.memory_space<vmem>>, vector<1x16xf32>,
          %swap3A_406 = vector.shape_cast %swap3A_405 : vector<1x16xf32> to vector<16xf32>
          %swap3A_407 = vector.shape_cast %add3A_368 : vector<16xf32> to vector<1x16xf32>
          tpu.vector_store %arg19[%swap3A_403, %swap3A_404], %swap3A_407 {strides = array<i32>} : memref<64x128xf32, #tpu.memory_space<vmem>>, vector<1x16xf32>,
          %scan3A_408 = arith.constant 0 : i32
          scf.yield %scan3A_408 : i32
        }
        %scan3A_105 = arith.constant 64 : i32
        "tpu.region"() ({
          %run_scoped3A = tpu.sem_alloc : memref<!tpu.dma_semaphore, #tpu.memory_space<semaphore_mem>>
          %dma_start3A = arith.constant 0 : i32
          %dma_start3A_106 = arith.constant 0 : i32
          %dma_start3A_107 = tpu.memref_slice %arg23[%dma_start3A, %dma_start3A_106] : memref<10000x128xf32, #tpu.memory_space<vmem_shared>> -> memref<10000x128xf32, #tpu.memory_space<vmem_shared>>
          tpu.enqueue_indirect_dma source(%arg19 : memref<64x128xf32, #tpu.memory_space<vmem>>) target(%dma_start3A_107 : memref<10000x128xf32, #tpu.memory_space<vmem_shared>>) offsets(%arg15 : memref<64xi32, #tpu.memory_space<vmem>>) semaphore(%run_scoped3A : memref<!tpu.dma_semaphore, #tpu.memory_space<semaphore_mem>>) {add = true}
          %dma_wait3A = arith.constant 0 : i32
          %dma_wait3A_108 = arith.constant 0 : i32
          %dma_wait3A_109 = tpu.memref_slice %arg23[%dma_wait3A, %dma_wait3A_108] : memref<10000x128xf32, #tpu.memory_space<vmem_shared>> -> memref<10000x128xf32, #tpu.memory_space<vmem_shared>>
          tpu.wait_indirect_dma semaphore(%run_scoped3A : memref<!tpu.dma_semaphore, #tpu.memory_space<semaphore_mem>>) src(%arg19 : memref<64x128xf32, #tpu.memory_space<vmem>>) dst(%dma_wait3A_109 : memref<10000x128xf32, #tpu.memory_space<vmem_shared>>)
          tpu.yield
        }) : () -> ()
      } else {
      }
      %scan3A_96 = arith.constant 0 : i32
      scf.yield %scan3A_96 : i32
    }
    %scan3A_75 = arith.constant 79 : i32
    %barrier3A_76 = arith.constant 0 : index
    tpu.barrier barrier_id(%barrier3A_76)
    %while3A_77 = arith.constant 0 : i32
    %while3A_78 = arith.constant 0 : i32
    %while3A_79 = arith.subi %select_n3A, %while3A_77 : i32
    %while3A_80 = arith.addi %while3A_77, %while3A_79 : i32
    %while3A_81 = arith.constant 1 : i32
    %while3A_82 = arith.divsi %while3A_79, %while3A_81 : i32
    %while3A_83 = arith.muli %while3A_82, %while3A_81 : i32
    %while3A_84 = arith.addi %while3A_77, %while3A_83 : i32
    %while3A_85 = arith.constant 1 : i32
    %while3A_86 = scf.for %while3A_89 = %while3A_77 to %while3A_84 step %while3A_85 iter_args(%while3A_90 = %while3A_78) -> (i32)  : i32 {
      %mul3A_91 = arith.constant 40 : i32
      %mul3A_92 = arith.muli %while3A_89, %mul3A_91 : i32
      %add3A_93 = arith.addi %mul3A_2, %mul3A_92 : i32
      "tpu.region"() ({
        %run_scoped3A = tpu.sem_alloc : memref<!tpu.dma_semaphore, #tpu.memory_space<semaphore_mem>>
        %dma_start3A = arith.constant 0 : i32
        %dma_start3A_95 = tpu.memref_slice %arg7[%arg0, %add3A_93, %dma_start3A] : memref<2x10000x128xf32, #tpu.memory_space<hbm>> -> memref<1x40x128xf32, #tpu.memory_space<hbm>>
        %dma_start3A_96 = tpu.memref_squeeze %dma_start3A_95 : memref<1x40x128xf32, #tpu.memory_space<hbm>> -> memref<40x128xf32, #tpu.memory_space<hbm>>
        %dma_start3A_97 = arith.constant 0 : i32
        %dma_start3A_98 = tpu.memref_slice %arg23[%add3A_93, %dma_start3A_97] : memref<10000x128xf32, #tpu.memory_space<vmem_shared>> -> memref<40x128xf32, #tpu.memory_space<vmem_shared>>
        tpu.enqueue_dma source(%dma_start3A_98 : memref<40x128xf32, #tpu.memory_space<vmem_shared>>) target(%dma_start3A_96 : memref<40x128xf32, #tpu.memory_space<hbm>>) target_semaphore(%run_scoped3A : memref<!tpu.dma_semaphore, #tpu.memory_space<semaphore_mem>>)
        %dma_wait3A = arith.constant 0 : i32
        %dma_wait3A_99 = tpu.memref_slice %arg7[%arg0, %add3A_93, %dma_wait3A] : memref<2x10000x128xf32, #tpu.memory_space<hbm>> -> memref<1x40x128xf32, #tpu.memory_space<hbm>>
        %dma_wait3A_100 = tpu.memref_squeeze %dma_wait3A_99 : memref<1x40x128xf32, #tpu.memory_space<hbm>> -> memref<40x128xf32, #tpu.memory_space<hbm>>
        %dma_wait3A_101 = arith.constant 0 : i32
        %dma_wait3A_102 = tpu.memref_slice %arg23[%add3A_93, %dma_wait3A_101] : memref<10000x128xf32, #tpu.memory_space<vmem_shared>> -> memref<40x128xf32, #tpu.memory_space<vmem_shared>>
        tpu.wait_dma2 semaphore(%run_scoped3A : memref<!tpu.dma_semaphore, #tpu.memory_space<semaphore_mem>>) src(%dma_wait3A_102 : memref<40x128xf32, #tpu.memory_space<vmem_shared>>) dst(%dma_wait3A_100 : memref<40x128xf32, #tpu.memory_space<hbm>>)
        tpu.yield
      }) : () -> ()
      %while3A_94 = arith.constant 0 : i32
      scf.yield %while3A_94 : i32
    }
    %while3A_87 = arith.constant 1 : i32
    %while3A_88 = scf.for %while3A_89 = %while3A_84 to %while3A_80 step %while3A_87 iter_args(%while3A_90 = %while3A_86) -> (i32)  : i32 {
      %mul3A_91 = arith.constant 40 : i32
      %mul3A_92 = arith.muli %while3A_89, %mul3A_91 : i32
      %add3A_93 = arith.addi %mul3A_2, %mul3A_92 : i32
      "tpu.region"() ({
        %run_scoped3A = tpu.sem_alloc : memref<!tpu.dma_semaphore, #tpu.memory_space<semaphore_mem>>
        %dma_start3A = arith.constant 0 : i32
        %dma_start3A_95 = tpu.memref_slice %arg7[%arg0, %add3A_93, %dma_start3A] : memref<2x10000x128xf32, #tpu.memory_space<hbm>> -> memref<1x40x128xf32, #tpu.memory_space<hbm>>
        %dma_start3A_96 = tpu.memref_squeeze %dma_start3A_95 : memref<1x40x128xf32, #tpu.memory_space<hbm>> -> memref<40x128xf32, #tpu.memory_space<hbm>>
        %dma_start3A_97 = arith.constant 0 : i32
        %dma_start3A_98 = tpu.memref_slice %arg23[%add3A_93, %dma_start3A_97] : memref<10000x128xf32, #tpu.memory_space<vmem_shared>> -> memref<40x128xf32, #tpu.memory_space<vmem_shared>>
        tpu.enqueue_dma source(%dma_start3A_98 : memref<40x128xf32, #tpu.memory_space<vmem_shared>>) target(%dma_start3A_96 : memref<40x128xf32, #tpu.memory_space<hbm>>) target_semaphore(%run_scoped3A : memref<!tpu.dma_semaphore, #tpu.memory_space<semaphore_mem>>)
        %dma_wait3A = arith.constant 0 : i32
        %dma_wait3A_99 = tpu.memref_slice %arg7[%arg0, %add3A_93, %dma_wait3A] : memref<2x10000x128xf32, #tpu.memory_space<hbm>> -> memref<1x40x128xf32, #tpu.memory_space<hbm>>
        %dma_wait3A_100 = tpu.memref_squeeze %dma_wait3A_99 : memref<1x40x128xf32, #tpu.memory_space<hbm>> -> memref<40x128xf32, #tpu.memory_space<hbm>>
        %dma_wait3A_101 = arith.constant 0 : i32
        %dma_wait3A_102 = tpu.memref_slice %arg23[%add3A_93, %dma_wait3A_101] : memref<10000x128xf32, #tpu.memory_space<vmem_shared>> -> memref<40x128xf32, #tpu.memory_space<vmem_shared>>
        tpu.wait_dma2 semaphore(%run_scoped3A : memref<!tpu.dma_semaphore, #tpu.memory_space<semaphore_mem>>) src(%dma_wait3A_102 : memref<40x128xf32, #tpu.memory_space<vmem_shared>>) dst(%dma_wait3A_100 : memref<40x128xf32, #tpu.memory_space<hbm>>)
        tpu.yield
      }) : () -> ()
      %while3A_94 = arith.constant 0 : i32
      scf.yield %while3A_94 : i32
    }
    return
  }
}

module attributes {stable_mosaic.version = 14 : i64} {
  func.func @_mm_body(%arg0: i32, %arg1: memref<1000x256xf32, #tpu.memory_space<vmem>>, %arg2: memref<256x640xf32, #tpu.memory_space<vmem>>, %arg3: memref<512x32xf32, #tpu.memory_space<vmem>>, %arg4: memref<1x128xf32, #tpu.memory_space<vmem>>, %arg5: memref<1000x512xbf16, #tpu.memory_space<vmem>>, %arg6: memref<1000x128xf32, #tpu.memory_space<vmem>>, %arg7: memref<1000x16xf32, #tpu.memory_space<vmem>>, %arg8: memref<1000x16xf32, #tpu.memory_space<vmem>>) attributes {dimension_semantics = [#tpu.dimension_semantics<arbitrary>], iteration_bounds = array<i64: 10>, scalar_prefetch = 0 : i64, scratch_operands = 0 : i64, tpu.core_type = #tpu.core_type<tc>, window_params = [{transform_indices = @transform_0, window_bounds = array<i64: 1000, 256>}, {pipeline_mode = #tpu.pipeline_mode<synchronous>, transform_indices = @transform_1, window_bounds = array<i64: 256, 640>}, {pipeline_mode = #tpu.pipeline_mode<synchronous>, transform_indices = @transform_2, window_bounds = array<i64: 512, 32>}, {pipeline_mode = #tpu.pipeline_mode<synchronous>, transform_indices = @transform_3, window_bounds = array<i64: 1, 128>}, {transform_indices = @transform_4, window_bounds = array<i64: 1000, 512>}, {transform_indices = @transform_5, window_bounds = array<i64: 1000, 128>}, {transform_indices = @transform_6, window_bounds = array<i64: 1000, 16>}, {transform_indices = @transform_7, window_bounds = array<i64: 1000, 16>}]} {
    %get3A = arith.constant 0 : index
    %get3A_0 = arith.constant 0 : index
    %get3A_1 = vector.load %arg1[%get3A, %get3A_0] : memref<1000x256xf32, #tpu.memory_space<vmem>>, vector<1000x256xf32>
    %get3A_2 = arith.constant 0 : index
    %get3A_3 = arith.constant 0 : index
    %get3A_4 = vector.load %arg2[%get3A_2, %get3A_3] : memref<256x640xf32, #tpu.memory_space<vmem>>, vector<256x640xf32>
    %dot_general3A = arith.constant dense<0.000000e+00> : vector<1000x640xf32>
    %dot_general3A_5 = tpu.matmul %get3A_1, %get3A_4, %dot_general3A {dimension_numbers = #tpu.dot_dimension_numbers<[1], [0], [0], [1], [0, 0, 1, 1], [], []>, transpose_lhs_hint = false} : vector<1000x256xf32>, vector<256x640xf32>, vector<1000x640xf32> -> vector<1000x640xf32>
    %slice3A = vector.extract_strided_slice %dot_general3A_5 {offsets = [0, 0], sizes = [1000, 512], strides = [1, 1]} : vector<1000x640xf32> to vector<1000x512xf32>
    %convert_element_type3A = arith.truncf %slice3A : vector<1000x512xf32> to vector<1000x512xbf16>
    %swap3A = arith.constant 0 : index
    %swap3A_6 = arith.constant 0 : index
    %swap3A_7 = vector.load %arg5[%swap3A, %swap3A_6] : memref<1000x512xbf16, #tpu.memory_space<vmem>>, vector<1000x512xbf16>
    tpu.vector_store %arg5[%swap3A, %swap3A_6], %convert_element_type3A {strides = array<i32>} : memref<1000x512xbf16, #tpu.memory_space<vmem>>, vector<1000x512xbf16>,
    %slice3A_8 = vector.extract_strided_slice %dot_general3A_5 {offsets = [0, 512], sizes = [1000, 128], strides = [1, 1]} : vector<1000x640xf32> to vector<1000x128xf32>
    %get3A_9 = arith.constant 0 : index
    %get3A_10 = arith.constant 0 : index
    %get3A_11 = vector.load %arg4[%get3A_9, %get3A_10] : memref<1x128xf32, #tpu.memory_space<vmem>>, vector<1x128xf32>
    %add3A = vector.broadcast %get3A_11 : vector<1x128xf32> to vector<1000x128xf32>
    %add3A_12 = arith.addf %slice3A_8, %add3A : vector<1000x128xf32>
    %swap3A_13 = arith.constant 0 : index
    %swap3A_14 = arith.constant 0 : index
    %swap3A_15 = vector.load %arg6[%swap3A_13, %swap3A_14] : memref<1000x128xf32, #tpu.memory_space<vmem>>, vector<1000x128xf32>
    tpu.vector_store %arg6[%swap3A_13, %swap3A_14], %add3A_12 {strides = array<i32>} : memref<1000x128xf32, #tpu.memory_space<vmem>>, vector<1000x128xf32>,
    %get3A_16 = arith.constant 0 : index
    %get3A_17 = arith.constant 0 : index
    %get3A_18 = vector.load %arg3[%get3A_16, %get3A_17] : memref<512x32xf32, #tpu.memory_space<vmem>>, vector<512x32xf32>
    %dot_general3A_19 = arith.constant dense<0.000000e+00> : vector<1000x32xf32>
    %dot_general3A_20 = tpu.matmul %slice3A, %get3A_18, %dot_general3A_19 {dimension_numbers = #tpu.dot_dimension_numbers<[1], [0], [0], [1], [0, 0, 1, 1], [], []>, transpose_lhs_hint = false} : vector<1000x512xf32>, vector<512x32xf32>, vector<1000x32xf32> -> vector<1000x32xf32>
    %slice3A_21 = vector.extract_strided_slice %dot_general3A_20 {offsets = [0, 0], sizes = [1000, 16], strides = [1, 1]} : vector<1000x32xf32> to vector<1000x16xf32>
    %swap3A_22 = arith.constant 0 : index
    %swap3A_23 = arith.constant 0 : index
    %swap3A_24 = vector.load %arg7[%swap3A_22, %swap3A_23] : memref<1000x16xf32, #tpu.memory_space<vmem>>, vector<1000x16xf32>
    tpu.vector_store %arg7[%swap3A_22, %swap3A_23], %slice3A_21 {strides = array<i32>} : memref<1000x16xf32, #tpu.memory_space<vmem>>, vector<1000x16xf32>,
    %slice3A_25 = vector.extract_strided_slice %dot_general3A_20 {offsets = [0, 16], sizes = [1000, 16], strides = [1, 1]} : vector<1000x32xf32> to vector<1000x16xf32>
    %swap3A_26 = arith.constant 0 : index
    %swap3A_27 = arith.constant 0 : index
    %swap3A_28 = vector.load %arg8[%swap3A_26, %swap3A_27] : memref<1000x16xf32, #tpu.memory_space<vmem>>, vector<1000x16xf32>
    tpu.vector_store %arg8[%swap3A_26, %swap3A_27], %slice3A_25 {strides = array<i32>} : memref<1000x16xf32, #tpu.memory_space<vmem>>, vector<1000x16xf32>,
    return
  }
  func.func @transform_0(%arg0: i32) -> (i32, i32) {
    %c0_i32 = arith.constant 0 : i32
    %c0_i32_0 = arith.constant 0 : i32
    return %arg0, %c0_i32 : i32, i32
  }
  func.func @transform_1(%arg0: i32) -> (i32, i32) {
    %c0_i32 = arith.constant 0 : i32
    %c0_i32_0 = arith.constant 0 : i32
    %c0_i32_1 = arith.constant 0 : i32
    return %c0_i32, %c0_i32_0 : i32, i32
  }
  func.func @transform_2(%arg0: i32) -> (i32, i32) {
    %c0_i32 = arith.constant 0 : i32
    %c0_i32_0 = arith.constant 0 : i32
    %c0_i32_1 = arith.constant 0 : i32
    return %c0_i32, %c0_i32_0 : i32, i32
  }
  func.func @transform_3(%arg0: i32) -> (i32, i32) {
    %c0_i32 = arith.constant 0 : i32
    %c0_i32_0 = arith.constant 0 : i32
    %c0_i32_1 = arith.constant 0 : i32
    return %c0_i32, %c0_i32_0 : i32, i32
  }
  func.func @transform_4(%arg0: i32) -> (i32, i32) {
    %c0_i32 = arith.constant 0 : i32
    %c0_i32_0 = arith.constant 0 : i32
    return %arg0, %c0_i32 : i32, i32
  }
  func.func @transform_5(%arg0: i32) -> (i32, i32) {
    %c0_i32 = arith.constant 0 : i32
    %c0_i32_0 = arith.constant 0 : i32
    return %arg0, %c0_i32 : i32, i32
  }
  func.func @transform_6(%arg0: i32) -> (i32, i32) {
    %c0_i32 = arith.constant 0 : i32
    %c0_i32_0 = arith.constant 0 : i32
    return %arg0, %c0_i32 : i32, i32
  }
  func.func @transform_7(%arg0: i32) -> (i32, i32) {
    %c0_i32 = arith.constant 0 : i32
    %c0_i32_0 = arith.constant 0 : i32
    return %arg0, %c0_i32 : i32, i32
  }
}

module attributes {stable_mosaic.version = 14 : i64} {
  func.func @_comb_body(%arg0: i32, %arg1: memref<1000x128xf32, #tpu.memory_space<vmem>>, %arg2: memref<1000x128xf32, #tpu.memory_space<vmem>>, %arg3: memref<1000x128xf32, #tpu.memory_space<vmem>>, %arg4: memref<1000x128xf32, #tpu.memory_space<vmem>>) attributes {dimension_semantics = [#tpu.dimension_semantics<arbitrary>], iteration_bounds = array<i64: 10>, scalar_prefetch = 0 : i64, scratch_operands = 0 : i64, tpu.core_type = #tpu.core_type<tc>, window_params = [{transform_indices = @transform_0, window_bounds = array<i64: 1000, 128>}, {transform_indices = @transform_1, window_bounds = array<i64: 1000, 128>}, {transform_indices = @transform_2, window_bounds = array<i64: 1000, 128>}, {transform_indices = @transform_3, window_bounds = array<i64: 1000, 128>}]} {
    %get3A = arith.constant 0 : index
    %get3A_0 = arith.constant 0 : index
    %get3A_1 = vector.load %arg1[%get3A, %get3A_0] : memref<1000x128xf32, #tpu.memory_space<vmem>>, vector<1000x128xf32>
    %get3A_2 = arith.constant 0 : index
    %get3A_3 = arith.constant 0 : index
    %get3A_4 = vector.load %arg2[%get3A_2, %get3A_3] : memref<1000x128xf32, #tpu.memory_space<vmem>>, vector<1000x128xf32>
    %add3A = arith.addf %get3A_1, %get3A_4 : vector<1000x128xf32>
    %get3A_5 = arith.constant 0 : index
    %get3A_6 = arith.constant 0 : index
    %get3A_7 = vector.load %arg3[%get3A_5, %get3A_6] : memref<1000x128xf32, #tpu.memory_space<vmem>>, vector<1000x128xf32>
    %add3A_8 = arith.addf %add3A, %get3A_7 : vector<1000x128xf32>
    %swap3A = arith.constant 0 : index
    %swap3A_9 = arith.constant 0 : index
    %swap3A_10 = vector.load %arg4[%swap3A, %swap3A_9] : memref<1000x128xf32, #tpu.memory_space<vmem>>, vector<1000x128xf32>
    tpu.vector_store %arg4[%swap3A, %swap3A_9], %add3A_8 {strides = array<i32>} : memref<1000x128xf32, #tpu.memory_space<vmem>>, vector<1000x128xf32>,
    return
  }
  func.func @transform_0(%arg0: i32) -> (i32, i32) {
    %c0_i32 = arith.constant 0 : i32
    %c0_i32_0 = arith.constant 0 : i32
    return %arg0, %c0_i32 : i32, i32
  }
  func.func @transform_1(%arg0: i32) -> (i32, i32) {
    %c0_i32 = arith.constant 0 : i32
    %c0_i32_0 = arith.constant 0 : i32
    return %arg0, %c0_i32 : i32, i32
  }
  func.func @transform_2(%arg0: i32) -> (i32, i32) {
    %c0_i32 = arith.constant 0 : i32
    %c0_i32_0 = arith.constant 0 : i32
    return %arg0, %c0_i32 : i32, i32
  }
  func.func @transform_3(%arg0: i32) -> (i32, i32) {
    %c0_i32 = arith.constant 0 : i32
    %c0_i32_0 = arith.constant 0 : i32
    return %arg0, %c0_i32 : i32, i32
  }
}

</mosaic_0001>

<sc_bundles>
// kernel: kernel.5.cloned.1.call-start
scs
__scs_entry_jumppad:
0x0: {  	(pc) =	sbr.rel $0x88, $3  }
0x1: {  	(tag) =	ssettag $0x0;
	lr =	simm.s32 $0x1  }
0x2: {  	[smem:$0x3F9A] =	sst lr;
	_ =	strace $0xD0000000  }
0x3: {  	_ = 	snop  }
0x4: {  	_ = 	snop  }
0x5: {  	_ = 	snop  }
0x6: {  	_ = 	snop  }
0x7: {  	_ = 	snop  }
__scs_overlays_trampoline_lowered:
0x8: {  	[smem:$0x3FA9] =	sst s0  }
0x9: {  	[smem:$0x3FAA] =	sst s1  }
0xa: {  	[smem:$0x3FAB] =	sst s2  }
0xb: {  	[smem:$0x3FAC] =	sst s3  }
0xc: {  	[smem:$0x3FAD] =	sst s4  }
0xd: {  	[smem:$0x3FAE] =	sst s5  }
0xe: {  	[smem:$0x3FAF] =	sst s6  }
0xf: {  	[smem:$0x3FB0] =	sst s7  }
0x10: {  	[smem:$0x3FB1] =	sst s8  }
0x11: {  	[smem:$0x3FB2] =	sst s9;
	s0 =	simm.s32 @!p0 $0x0  }
0x12: {  	s1 =	sld [smem:$0x3F98];
	s0 =	simm.s32 @p0 $0x1  }
0x13: {  	[smem:$0x3FB3] =	sst s0;
	s0 =	simm.s32 @!p1 $0x0  }
0x14: {  	s2 =	sld [smem:$0x3F97];
	s0 =	simm.s32 @p1 $0x1  }
0x15: {  	[smem:$0x3FB4] =	sst s0;
	s0 =	simm.s32 @!p2 $0x0  }
0x16: {  	s3 =	sld [smem:$0x3FDB];
	s0 =	simm.s32 @p2 $0x1  }
0x17: {  	s4 =	simm.s32 $0x1BF5;
	[smem:$0x3FB6] =	sst s0  }
0x18: {  	s0 =	sld [smem:$0x3F99];
	_ =	swait.ge [sflag:s4], $0x0  }
0x19: {  	s7 =	sld [smem:$0x3F9A]  }
0x1a: {  	s8 =	sadd.s32 $0xFFFFE003, lr  }
0x1b: {  	s9 =	sadd.s32 $0xFFFFFEF7, lr;
	s5 =	simm.s32 $0xFFFFFFFF;
	p2 =	slt.u32 s8, $0xFFFFF086  }
0x1c: {  	p1 =	slt.u32 s9, $0xF7A;
	s5 =	simm.s32 @!p2 $0x0  }
0x1d: {  	s5 =	simm.s32 @p1 $0x1;
	p0 =	seq.s32 s7, s2  }
0x1e: {  	s7 =	smul.u32 @!p0 $0xF7A, s2;
	p2 =	seq.s32 @!p0 s5, $0x0  }
0x1f: {  	s9 =	smul.u32 $0xF7A, s1;
	s8 =	simm.s32 @!p0 $0x1BF5;
	p2 =	por !p2, p0  }
0x20: {  	[sflag:s8] =	ssyncset.s32 @!p0 $0xFFFFF086;
	s6 =	sadd.s32 @!p0 s3, s7;
	s7 =	simm.s32 @!p0 $0x108  }
0x21: {  	s3 =	sadd.s32 s3, s9;
	s6 =	sadd.s32 @!p0 $0x88, s6;
	s7 =	simm.s32 @p2 $0x1082  }
0x22: {  	[simem:s7], [sflag:s8] =	dma.local @!p0 [hbm:s6], $0xF7A  }
0x23: {  	s9 =	sor.u32 $0xD0000000, s2;
	s6 =	simm.s32 $0x108;
	_ =	swait.ge @!p0 [sflag:s8], $0x0  }
0x24: {  	s3 =	sadd.s32 $0x88, s3;
	s6 =	simm.s32 @!p1 $0x1082;
	[sflag:s4] =	ssyncset.s32 $0xFFFFF086  }
0x25: {  	[simem:s6], [sflag:s4] =	dma.local [hbm:s3], $0xF7A  }
0x26: {  	[smem:$0x3F9A] =	sst s1;
	(tag) =	ssettag s2;
	_ =	strace s9  }
0x27: {  	s1 =	sld [smem:$0x3FAA]  }
0x28: {  	s2 =	sld [smem:$0x3FAB]  }
0x29: {  	s4 =	sld [smem:$0x3FAD]  }
0x2a: {  	p0 =	seq.s32 s5, $0x0;
	s5 =	sld [smem:$0x3FAE]  }
0x2b: {  	s6 =	sld [smem:$0x3FAF]  }
0x2c: {  	s7 =	sld [smem:$0x3FB0]  }
0x2d: {  	s3 =	simm.s32 $0x108;
	s8 =	sld [smem:$0x3FB1]  }
0x2e: {  	s3 =	simm.s32 @!p0 $0x1082;
	s9 =	sld [smem:$0x3FB2]  }
0x2f: {  	lr =	sadd.s32 s0, s3;
	s0 =	sld [smem:$0x3FA9]  }
0x30: {  	s3 =	sld [smem:$0x3FAC]  }
0x31: {  	[smem:$0x3FB5] =	sst s10  }
0x32: {  	s10 =	sld [smem:$0x3FB3];
	_ =	sdelay $0x3  }
0x33: {  	p0 =	seq.s32 s10, $0x1;
	s10 =	sld [smem:$0x3FB5];
	_ =	sdelay $0x3  }
0x34: {  	[smem:$0x3FB5] =	sst s10  }
0x35: {  	s10 =	sld [smem:$0x3FB4];
	_ =	sdelay $0x3  }
0x36: {  	p1 =	seq.s32 s10, $0x1;
	s10 =	sld [smem:$0x3FB5];
	_ =	sdelay $0x3  }
0x37: {  	[smem:$0x3FB5] =	sst s10  }
0x38: {  	s10 =	sld [smem:$0x3FB6]  }
0x39: {  	_ = 	snop;
	(pc) =	sbr.ind lr, $3  }
0x3a: {  	_ = 	snop  }
0x3b: {  	_ = 	snop  }
0x3c: {  	p2 =	seq.s32 s10, $0x1;
	s10 =	sld [smem:$0x3FB5]  }
0x3d: {  	_ =	shalt  }
0x3e: {  	_ =	shalt  }
0x3f: {  	_ =	shalt  }
0x40: {  	_ =	shalt  }
0x41: {  	_ =	shalt  }
0x42: {  	_ =	shalt  }
0x43: {  	_ =	shalt  }
0x44: {  	_ =	shalt  }
0x45: {  	_ =	shalt  }
0x46: {  	_ =	shalt  }
0x47: {  	_ =	shalt  }
0x48: {  	_ =	shalt  }
0x49: {  	_ =	shalt  }
0x4a: {  	_ =	shalt  }
0x4b: {  	_ =	shalt  }
0x4c: {  	_ =	shalt  }
0x4d: {  	_ =	shalt  }
0x4e: {  	_ =	shalt  }
0x4f: {  	_ =	shalt  }
0x50: {  	_ =	shalt  }
0x51: {  	_ =	shalt  }
0x52: {  	_ =	shalt  }
0x53: {  	_ =	shalt  }
0x54: {  	_ =	shalt  }
0x55: {  	_ =	shalt  }
0x56: {  	_ =	shalt  }
0x57: {  	_ =	shalt  }
0x58: {  	_ =	shalt  }
0x59: {  	_ =	shalt  }
0x5a: {  	_ =	shalt  }
0x5b: {  	_ =	shalt  }
0x5c: {  	_ =	shalt  }
0x5d: {  	_ =	shalt  }
0x5e: {  	_ =	shalt  }
0x5f: {  	_ =	shalt  }
0x60: {  	_ =	shalt  }
0x61: {  	_ =	shalt  }
0x62: {  	_ =	shalt  }
0x63: {  	_ =	shalt  }
0x64: {  	_ =	shalt  }
0x65: {  	_ =	shalt  }
0x66: {  	_ =	shalt  }
0x67: {  	_ =	shalt  }
0x68: {  	_ =	shalt  }
0x69: {  	_ =	shalt  }
0x6a: {  	_ =	shalt  }
0x6b: {  	_ =	shalt  }
0x6c: {  	_ =	shalt  }
0x6d: {  	_ =	shalt  }
0x6e: {  	_ =	shalt  }
0x6f: {  	_ =	shalt  }
0x70: {  	_ =	shalt  }
0x71: {  	_ =	shalt  }
0x72: {  	_ =	shalt  }
0x73: {  	_ =	shalt  }
0x74: {  	_ =	shalt  }
0x75: {  	_ =	shalt  }
0x76: {  	_ =	shalt  }
0x77: {  	_ =	shalt  }
0x78: {  	_ =	shalt  }
0x79: {  	_ =	shalt  }
0x7a: {  	_ =	shalt  }
0x7b: {  	_ =	shalt  }
0x7c: {  	_ =	shalt  }
0x7d: {  	_ =	shalt  }
0x7e: {  	_ =	shalt  }
0x7f: {  	_ =	shalt  }
0x80: {  	_ =	shalt  }
0x81: {  	_ =	shalt  }
0x82: {  	_ =	shalt  }
0x83: {  	_ =	shalt  }
0x84: {  	_ =	shalt  }
0x85: {  	_ =	shalt  }
0x86: {  	_ =	shalt  }
0x87: {  	_ =	shalt  }
.Lfunc_end0:
.L_simem_size_0:
called_computation_lowered:
.L_overlay_start_0:
0x88: {  	s2 =	sld [smem:$0x3FD9]  }
0x89: {  	s3 =	sld [smem:$0x3FFE];
	_ =	sdelay $0x1  }
0x8a: {  	s1 =	srdreg.scid  }
0x8b: {  	s0 =	sand.u32 $0x1, s1  }
0x8c: {  	s17 =	sshll.u32 s0, $0xA;
	s2 =	sadd.s32 s3, s2  }
0x8d: {  	s2 =	sadd.s32 s2, s17  }
0x8e: {  	[smem:$0x3FC1] =	sst s2  }
0x8f: {  	_ = 	snop  }
0x90: {  	s2 =	sld [smem:$0x3FD0];
	(tm) =	ssettm $0x1  }
0x91: {  	s18 =	sld [smem:$0x3FFB];
	_ =	sdelay $0x3  }
0x92: {  	_ =	strace s18  }
0x93: {  	s3 =	sld [smem:$0x3FFC];
	_ =	sdelay $0x3  }
0x94: {  	_ =	strace s3  }
0x95: {  	s3 =	sld [smem:$0x3FFD];
	_ =	sdelay $0x3  }
0x96: {  	_ =	strace s3  }
0x97: {  	_ =	strace $0x8FFFFFFF  }
0x98: {  	s19 =	sld [smem:$0x3FDB];
	_ =	sdelay $0x1  }
0x99: {  	s4 =	simm.s32 $_scs_section_size  }
0x9a: {  	s5 =	simm.s32 $_size__tile_overlayer_lowered;
	s6 =	simm.s32 $_tile_overlayer_lowered  }
0x9b: {  	s22 =	simm.s32 $0x1BFF;
	s21 =	sshll.u32 s6, $0x1;
	s3 =	sadd.s32 s4, s19  }
0x9c: {  	s7 =	simm.s32 $0x0;
	s20 =	sshll.u32 s5, $0x1;
	s5 =	sadd.s32 s21, s3  }
0x9d: {  	[timem:s7], [sflag:s22] =	dma.local [hbm:s5], s20  }
0x9e: {  	_ =	swait.ge [sflag:s22], s20  }
0x9f: {  	s4 =	ssub.s32 $0x0, s20;
	[sflag:s22] =	ssyncset.done $0x0  }
0xa0: {  	[sflag:s22] =	ssyncadd.s32 s4;
	_ =	sdelay $0x1  }
0xa1: {  	s23 =	simm.s32 $0x1B8B  }
0xa2: {  	_ =	swait.ge [sflag:s23], $0x1  }
0xa3: {  	[sflag:s23] =	ssyncset.done $0x0  }
0xa4: {  	s25 =	simm.s32 $0x1B8E;
	s24 =	sld [smem:$0x3FFE];
	[sflag:s23] =	ssyncadd.s32 $0xFFFFFFFF  }
0xa5: {  	s26 =	simm.s32 $execute0_lowered;
	[smem:$0x3FD2] =	sst s25  }
0xa6: {  	s5 =	sshll.u32 s26, $0x1;
	_ =	strace $0x80000046;
	[dreg:$0x1] =	wrdreg $0xFFFFFFFF  }
0xa7: {  	s28 =	simm.s32 $_size_execute0_lowered;
	s3 =	sadd.s32 s3, s5;
	[dreg:$0x0] =	wrdreg $0x0  }
0xa8: {  	s5 =	sshll.u32 s28, $0x1;
	[dreg:$0x2] =	wrdreg s3  }
0xa9: {  	[dreg:$0x3] =	wrdreg s5  }
0xaa: {  	[dreg:$0x4] =	wrdreg $0xC0  }
0xab: {  	_ =	task [dreg:s7], $0x5FFFF  }
0xac: {  	[dreg:$0x1] =	wrdreg $0xFFFFFFFF  }
0xad: {  	[dreg:$0x0] =	wrdreg $0x60  }
0xae: {  	[dreg:$0x2] =	wrdreg s24  }
0xaf: {  	[dreg:$0x3] =	wrdreg s2  }
0xb0: {  	[dreg:$0x4] =	wrdreg $0xC5500  }
0xb1: {  	[dreg:$0x5] =	wrdreg $0x9E400  }
0xb2: {  	[dreg:$0x6] =	wrdreg $0x9  }
0xb3: {  	_ =	task.clear_ibuf [dreg:s7], $0x7FFFF;
	_ =	strace $0x90000046  }
0xb4: {  	s29 =	simm.s32 $0x9;
	_ =	strace $0x80000048  }
0xb5: {  	_ =	swait.ge [sflag:s29], $0x1  }
0xb6: {  	[sflag:s29] =	ssyncadd.s32 $0xFFFFFFFF  }
0xb7: {  	_ =	strace $0x90000048  }
0xb8: {  	_ =	sfence  }
0xb9: {  	s30 =	sld [smem:$0x0];
	_ =	sdelay $0x2  }
0xba: {  	s31 =	sshll.u32 s1, $0xD;
	s1 =	sshrl.u32 s1, $0x2  }
0xbb: {  	s3 =	sand.u32 $0x4000, s31;
	s1 =	sadd.s32 s1, s30  }
0xbc: {  	s0 =	sor.u32 s3, s0;
	s1 =	sshll.u32 s1, $0x11  }
0xbd: {  	s0 =	sor.u32 s1, s0  }
0xbe: {  	s0 =	sadd.s32 $0x8F2B, s0  }
0xbf: {  	[sflag:s0] =	ssyncadd.remote.s32 $0x1  }
0xc0: {  	_ =	sfence.sel $0xFFFF  }
0xc1: {  	[dreg:$0x0] =	wrdreg $0xFFFFFFFF;
	(pc) =	sbr.abs _section_cstart, $3  }
0xc2: {  	[dreg:$0x1] =	wrdreg $0xFFFFFFFF  }
0xc3: {  	_ =	task.clear_ibuf [dreg:s7], $0x2FFFF;
	_ =	strace $0x9FFFFFFF  }
0xc4: {  	(tm) =	ssettm $0x7FFFFFFF  }
0xc5: {  	_ =	shalt  }
tec
execute0_lowered:
.L_overlay_start_1:
0x0: {  	(tag) =	ssettag $0x1  }
0x1: {  	s0 =	rddreg [dreg:$0x0]  }
0x2: {  	s1 =	rddreg [dreg:$0x1]  }
0x3: {  	s18 =	rddreg [dreg:$0x2]  }
0x4: {  	s2 =	srdreg.scid;
	s5 =	rddreg [dreg:$0x3]  }
0x5: {  	s3 =	stileid.u32;
	s7 =	simm.s32 $0x0;
	s19 =	simm.s32 $0x87C0  }
0x6: {  	s20 =	simm.s32 $0x1;
	s21 =	simm.s32 $0x9BC0;
	s22 =	simm.s32 $0x2  }
0x7: {  	s28 =	simm.s32 $0x1F40;
	s29 =	simm.s32 $0x1F80;
	s6 =	smul.u32 $0x14000, s3  }
0x8: {  	s2 =	sand.u32 $0x1, s2;
	[smem:$0x7FF] =	sst s7;
	s7 =	smul.u32 $0x280, s3  }
0x9: {  	s8 =	sadd.s32 $0x53200, s0;
	s9 =	sadd.s32 $0x58200, s0;
	s15 =	smul.u32 $0xA000, s3  }
0xa: {  	s10 =	sadd.s32 $0x5000, s0;
	s11 =	sadd.s32 $0x5D200, s0;
	s17 =	smul.u32 $0x50000, s3  }
0xb: {  	s31 =	simm.s32 $0x40;
	s4 =	smul.u32 $0x138800, s2;
	_ =	strace $0x80000047  }
0xc: {  	s12 =	ssub.s32 $0x2, s2;
	s14 =	smul.u32 $0x271000, s2;
	s23 =	ssub.s32 $0x2710, s7  }
0xd: {  	s13 =	sshrl.u32 s12, $0x1;
	s24 =	sshrl.u32 s15, $0x2;
	s26 =	sshrl.u32 s17, $0x2  }
0xe: {  	s15 =	simm.s32 $0x27C0;
	s4 =	sadd.s32 s6, s4;
	s6 =	smin.u32 s23, $0x280  }
0xf: {  	s16 =	ssub.s32 s12, s13;
	s12 =	sshll.u32 s2, $0x4;
	s2 =	sadd.s32 s24, s5  }
0x10: {  	s23 =	simm.s32 $0xA0;
	s4 =	sshrl.u32 s4, $0x3;
	s6 =	smul.u32 $0x667, s6  }
0x11: {  	s25 =	smax.u32 s16, $0x1;
	[dreg:$0x6] =	wrdreg s2;
	s2 =	sadd.s32 s26, s18  }
0x12: {  	s26 =	simm.s32 $0x1540;
	s4 =	sadd.s32 s4, s0;
	[dreg:$0x5] =	wrdreg s25  }
0x13: {  	v0 =	vimm.f32 $0.0e+00;
	v1 =	vimm.s32 $0x0;
	s18 =	simm.s32 $0x67C0;
	[dreg:$0x7] =	wrdreg s2;
	s30 =	sadd.s32 $0xF9600, s4  }
0x14: {  	v2 =	vimm.s32 $0x1;
	v3 =	vimm.s32 $0x2;
	v4 =	vimm.s32 $0x3;
	s13 =	sshrl.u32 s6, $0x10;
	s4 =	simm.s32 $0x0;
	[dreg:$0x8] =	wrdreg s30  }
.LBB2_1:
0x15: {  	[dreg:$0x9] =	wrdreg s4;
	s4 =	simm.s32 $0x8800  }
0x16: {  	[tilespmem:s4+$0xFFFFFFD0] =	vst v0  }
0x17: {  	[tilespmem:s4+$0xFFFFFFE0] =	vst v0  }
0x18: {  	[tilespmem:s4+$0xFFFFFFF0] =	vst v0  }
0x19: {  	[tilespmem:s4+$0x0] =	vst v0  }
0x1a: {  	[tilespmem:s4+$0x10] =	vst v0  }
0x1b: {  	[tilespmem:s4+$0x20] =	vst v0  }
0x1c: {  	[tilespmem:s4+$0x30] =	vst v0  }
0x1d: {  	s16 =	simm.s32 $0x0;
	s6 =	simm.s32 $0x40;
	[tilespmem:s4+$0xFFFFFFC0] =	vst v0  }
.LBB2_2:
0x1e: {  	p0 =	sne.s32 s6, $0x9C0;
	[tilespmem:s16+$0x9BC0] =	vst v0;
	s4 =	sadd.s32 $0x80, s4  }
0x1f: {  	[tilespmem:s4+$0xFFFFFFD0] =	vst v0  }
0x20: {  	[tilespmem:s4+$0xFFFFFFE0] =	vst v0  }
0x21: {  	[tilespmem:s4+$0xFFFFFFF0] =	vst v0  }
.Ltmp0:
0x22: {  	[tilespmem:s4+$0x0] =	vst v0;
	(pc) =	sbr.rel @p0 .LBB2_2-.Ltmp0, $4  }
0x23: {  	[tilespmem:s4+$0x10] =	vst v0  }
0x24: {  	[tilespmem:s4+$0x20] =	vst v0  }
0x25: {  	[tilespmem:s4+$0x30] =	vst v0  }
0x26: {  	s16 =	sshra.s32 s6, $0x2;
	s6 =	sadd.s32 $0x40, s6;
	[tilespmem:s4+$0xFFFFFFC0] =	vst v0  }
0x27: {  	[tilespmem:s16+$0x9BC0] =	vst v0;
	s16 =	rddreg [dreg:$0x7]  }
0x28: {  	[spmem:s16] =	stream.linear.scatter [tilespmem:s19], [sflag:$0x1], $0x1400, $0x38;
	[tilespmem:$0x1FDD0] =	vst v63  }
0x29: {  	p0 =	sne.s32 s13, $0x1;
	_ =	swait.ge [sflag:s20], $0x1400  }
.Ltmp1:
0x2a: {  	[sflag:s20] =	ssyncset.done $0x0;
	(pc) =	sbr.rel @!p0 .LBB2_5-.Ltmp1, $4  }
0x2b: {  	s6 =	rddreg [dreg:$0x6];
	[sflag:s20] =	ssyncadd.s32 $0xFFFFEC00  }
0x2c: {  	[spmem:s6] =	stream.linear.scatter [tilespmem:s21], [sflag:$0x1], $0x280, $0x38;
	[tilespmem:$0x1FDD0] =	vst v63  }
0x2d: {  	_ =	swait.ge [sflag:s20], $0x280  }
0x2e: {  	s4 =	sadd.s32 $0xFFFFFFFF, s13;
	[sflag:s20] =	ssyncset.done $0x0  }
.LBB2_4:
0x2f: {  	[sflag:s20] =	ssyncadd.s32 $0xFFFFFD80;
	s6 =	sadd.s32 $0x280, s6;
	s16 =	sadd.s32 $0x1400, s16  }
0x30: {  	[spmem:s16] =	stream.linear.scatter [tilespmem:s19], [sflag:$0x1], $0x1400, $0x38;
	[tilespmem:$0x1FDD0] =	vst v63  }
0x31: {  	p1 =	sne.s32 s4, $0x1;
	s4 =	sadd.s32 $0xFFFFFFFF, s4;
	_ =	swait.ge [sflag:s20], $0x1400  }
.Ltmp2:
0x32: {  	[sflag:s20] =	ssyncset.done $0x0;
	(pc) =	sbr.rel @p1 .LBB2_4-.Ltmp2, $4  }
0x33: {  	[sflag:s20] =	ssyncadd.s32 $0xFFFFEC00  }
0x34: {  	[spmem:s6] =	stream.linear.scatter [tilespmem:s21], [sflag:$0x1], $0x280, $0x38;
	[tilespmem:$0x1FDD0] =	vst v63  }
0x35: {  	_ =	swait.ge [sflag:s20], $0x280  }
0x36: {  	[sflag:s20] =	ssyncset.done $0x0  }
.LBB2_5:
.Ltmp3:
0x37: {  	(pc) =	sbr.rel .LBB2_6-.Ltmp3, $4  }
0x38: {  	_ = 	snop  }
0x39: {  	[sflag:s20] =	ssyncadd.s32 $0xFFFFFD80  }
0x3a: {  	[bflag:$0x0] =	sbarrier.arrive $0xFFFF  }
0x3b: {  	s4 =	simm.s32 $0x0  }
.LBB2_10:
0x3c: {  	s4 =	sadd.s32 $0x1, s4  }
0x3d: {  	p1 =	sne.s32 s4, $0x3F  }
.Ltmp4:
0x3e: {  	_ = 	snop;
	(pc) =	sbr.rel @!p1 .LBB2_11-.Ltmp4, $1  }
0x3f: {  	_ =	sdelay $0x3  }
.LBB2_6:
0x40: {  	s6 =	sshll.u32 s4, $0x4  }
0x41: {  	s6 =	sor.u32 s3, s6  }
0x42: {  	p1 =	sgt.u32 s6, $0x3E7  }
.Ltmp5:
0x43: {  	_ = 	snop;
	(pc) =	sbr.rel @p1 .LBB2_10-.Ltmp5, $1  }
0x44: {  	_ =	sdelay $0x3  }
0x45: {  	s16 =	smul.u32 $0x14, s6;
	_ =	sdelay $0x1  }
0x46: {  	s24 =	simm.s32 $0x0;
	s17 =	sadd.s32 s0, s16  }
0x47: {  	[tilespmem:s24], [sflag:$0x2] =	stream.linear.gather [hbm4b:s17+s24], $0xA0, $0x38;
	[tilespmem:$0x1FDD0] =	vst v63  }
0x48: {  	_ =	swait.ge [sflag:s22], $0xA0  }
0x49: {  	[sflag:s22] =	ssyncset.done $0x0  }
0x4a: {  	s16 =	sadd.s32 s1, s16;
	[sflag:s22] =	ssyncadd.s32 $0xFFFFFF60  }
0x4b: {  	[tilespmem:s23], [sflag:$0x2] =	stream.linear.gather [hbm4b:s16+s24], $0xA0, $0x38;
	[tilespmem:$0x1FDD0] =	vst v63  }
0x4c: {  	_ =	swait.ge [sflag:s22], $0xA0  }
0x4d: {  	[sflag:s22] =	ssyncset.done $0x0  }
0x4e: {  	s2 =	simm.s32 $0x140;
	[sflag:s22] =	ssyncadd.s32 $0xFFFFFF60  }
0x4f: {  	[tilespmem:s2], [sflag:$0x2] =	stream.indirect.gather [hbm4b:s8+s23], $0x10, s24, s23, $0xb8;
	[tilespmem:$0x1FDD0] =	vst v63  }
0x50: {  	_ =	swait.ge [sflag:s22], $0xA00  }
0x51: {  	[sflag:s22] =	ssyncset.done $0x0  }
0x52: {  	s25 =	simm.s32 $0xB40;
	[sflag:s22] =	ssyncadd.s32 $0xFFFFF600  }
0x53: {  	[tilespmem:s25], [sflag:$0x2] =	stream.indirect.gather [hbm4b:s9+s23], $0x10, s23, s23, $0xb8;
	[tilespmem:$0x1FDD0] =	vst v63  }
0x54: {  	_ =	swait.ge [sflag:s22], $0xA00  }
0x55: {  	[sflag:s22] =	ssyncset.done $0x0  }
0x56: {  	s16 =	simm.s32 $0x0;
	[sflag:s22] =	ssyncadd.s32 $0xFFFFF600  }
0x57: {  	v5 =	vld [tilespmem:s16+$0x140]  }
0x58: {  	v6 =	vld [tilespmem:s16+$0xB40];
	_ =	sdelay $0x4  }
0x59: {  	v5 =	vadd.f32 v6, v5;
	_ =	sdelay $0x1  }
0x5a: {  	s17 =	simm.s32 $0x10;
	v6 =	vmul.f32 $2.000000030e-01, v5  }
0x5b: {  	v7 =	vld [tilespmem:s17+$0x140]  }
0x5c: {  	v8 =	vld [tilespmem:s17+$0xB40];
	v5 =	vmax.f32 v5, v6  }
0x5d: {  	s25 =	simm.s32 $0x20;
	v5 =	vmul.f32 $1.442695020e+00, v5  }
0x5e: {  	v6 =	vld [tilespmem:s25+$0x140]  }
0x5f: {  	(erf) = vpow2.f32 v5;
	v5 =	vld [tilespmem:s25+$0xB40];
	_ =	sdelay $0x1  }
0x60: {  	v7 =	vadd.f32 v8, v7;
	_ =	sdelay $0x1  }
0x61: {  	v8 =	vmul.f32 $2.000000030e-01, v7  }
0x62: {  	v9 =	vadd.f32 v5, v6  }
0x63: {  	v5 =	vmax.f32 v7, v8  }
0x64: {  	s24 =	simm.s32 $0x30;
	v6 =	vmul.f32 $1.442695020e+00, v5;
	v7 =	vmul.f32 $2.000000030e-01, v9  }
0x65: {  	v5 =	vld [tilespmem:s24+$0x140]  }
0x66: {  	(erf) = vpow2.f32 v6;
	v6 =	vld [tilespmem:s24+$0xB40];
	_ =	sdelay $0x1  }
0x67: {  	s30 =	simm.s32 $0x100;
	v8 =	vmax.f32 v9, v7;
	v7 =	vpop (erf)  }
.LBB2_8:
0x68: {  	s2 =	sshra.s32 s30, $0x2  }
0x69: {  	v8 =	vmul.f32 $1.442695020e+00, v8;
	[tilespmem:s16+$0x1540] =	vst v7;
	s16 =	smov.u32 s17;
	s17 =	smov.u32 s25;
	p1 =	sne.s32 s30, $0x27C0  }
.Ltmp6:
0x6a: {  	s30 =	sadd.s32 $0x40, s30;
	v7 =	vadd.f32 v6, v5;
	v5 =	vld [tilespmem:s2+$0x140];
	(pc) =	sbr.rel @p1 .LBB2_8-.Ltmp6, $3  }
0x6b: {  	s25 =	smov.u32 s24;
	s24 =	smov.u32 s2;
	v6 =	vld [tilespmem:s2+$0xB40];
	(erf) = vpow2.f32 v8  }
0x6c: {  	v8 =	vmul.f32 $2.000000030e-01, v7;
	_ =	sdelay $0x1  }
0x6d: {  	v8 =	vmax.f32 v7, v8;
	v7 =	vpop (erf)  }
0x6e: {  	_ = 	snop  }
0x6f: {  	v5 =	vadd.f32 v6, v5;
	_ =	sdelay $0x1  }
0x70: {  	v6 =	vmul.f32 $2.000000030e-01, v5;
	_ =	sdelay $0x1  }
0x71: {  	v8 =	vmul.f32 $1.442695020e+00, v8;
	v5 =	vmax.f32 v5, v6  }
0x72: {  	v5 =	vmul.f32 $1.442695020e+00, v5  }
0x73: {  	(erf) = vpow2.f32 v8  }
0x74: {  	(erf) = vpow2.f32 v5;
	_ =	sdelay $0x6  }
0x75: {  	[tilespmem:s16+$0x1540] =	vst v7;
	v5 =	vpop (erf)  }
0x76: {  	[tilespmem:s17+$0x1540] =	vst v5;
	v5 =	vpop (erf)  }
0x77: {  	[tilespmem:s25+$0x1540] =	vst v5;
	v5 =	vpop (erf)  }
0x78: {  	s2 =	smul.u32 $0xA00, s6;
	[tilespmem:s24+$0x1540] =	vst v5  }
0x79: {  	[spmem:s5] =	stream.indirect.scatter.add.f32 [tilespmem:s26], [sflag:$0x2], $0x10, s23, s23, $0xb8;
	[tilespmem:$0x1FDD0] =	vst v63  }
0x7a: {  	s2 =	sadd.s32 s14, s2;
	_ =	swait.ge [sflag:s22], $0xA00  }
0x7b: {  	s30 =	simm.s32 $0x0;
	s2 =	sshrl.u32 s2, $0x3;
	[sflag:s22] =	ssyncset.done $0x0  }
.Ltmp7:
0x7c: {  	s2 =	sadd.s32 s11, s2;
	[sflag:s22] =	ssyncadd.s32 $0xFFFFF600;
	(pc) =	sbr.rel .LBB2_10-.Ltmp7, $4  }
0x7d: {  	[hbm4b:s2+s30] =	stream.linear.scatter [tilespmem:s26], [sflag:$0x1], $0xA00, $0x38;
	[tilespmem:$0x1FDD0] =	vst v63  }
0x7e: {  	_ =	swait.ge [sflag:s20], $0xA00  }
0x7f: {  	[sflag:s20] =	ssyncset.done $0x0  }
0x80: {  	[sflag:s20] =	ssyncadd.s32 $0xFFFFF600  }
.LBB2_11:
0x81: {  	[bflag:$0x0] =	sbarrier.arrive $0xFFFF;
	s4 =	simm.s32 $0x0  }
.LBB2_12:
0x82: {  	s2 =	smul.u32 $0x28, s4;
	_ =	sdelay $0x1  }
0x83: {  	s2 =	sadd.s32 s7, s2  }
0x84: {  	s2 =	sshll.u32 s2, $0x6  }
0x85: {  	s2 =	sshra.s32 s2, $0x2  }
0x86: {  	s6 =	sadd.s32 s2, s5  }
0x87: {  	[tilespmem:s21], [sflag:$0x1] =	stream.linear.gather [spmem:s6], $0x280, $0x38;
	[tilespmem:$0x1FDD0] =	vst v63  }
0x88: {  	_ =	swait.ge [sflag:s20], $0x280  }
0x89: {  	[sflag:s20] =	ssyncset.done $0x0  }
0x8a: {  	s16 =	simm.s32 $0x0;
	s17 =	simm.s32 $0x40;
	[sflag:s20] =	ssyncadd.s32 $0xFFFFFD80  }
.LBB2_13:
0x8b: {  	p1 =	sne.s32 s17, $0x9C0;
	v5 =	vld [tilespmem:s16+$0x9BC0];
	_ =	sdelay $0x4  }
0x8c: {  	v5 =	vadd.f32 $9.999999710e-10, v5;
	_ =	sdelay $0x1  }
0x8d: {  	(erf) = vrcp.f32 v5;
	_ =	sdelay $0x7  }
.Ltmp8:
0x8e: {  	(pc) =	sbr.rel @p1 .LBB2_13-.Ltmp8, $3  }
0x8f: {  	v5 =	vpop (erf)  }
0x90: {  	v5 =	vmul.f32 $2.500000000e-01, v5;
	_ =	sdelay $0x1  }
0x91: {  	[tilespmem:s16+$0x9BC0] =	vst v5;
	s16 =	sshra.s32 s17, $0x2;
	s17 =	sadd.s32 $0x40, s17  }
0x92: {  	v5 =	vld [tilespmem:s16+$0x9BC0];
	_ =	sdelay $0x4  }
0x93: {  	v5 =	vadd.f32 $9.999999710e-10, v5;
	_ =	sdelay $0x1  }
0x94: {  	(erf) = vrcp.f32 v5;
	_ =	sdelay $0x8  }
0x95: {  	v5 =	vpop (erf)  }
0x96: {  	s4 =	sadd.s32 $0x1, s4;
	v5 =	vmul.f32 $2.500000000e-01, v5  }
0x97: {  	p1 =	sne.s32 s4, s13  }
.Ltmp9:
0x98: {  	[tilespmem:s16+$0x9BC0] =	vst v5;
	(pc) =	sbr.rel @p1 .LBB2_12-.Ltmp9, $4  }
0x99: {  	[spmem:s6] =	stream.linear.scatter [tilespmem:s21], [sflag:$0x1], $0x280, $0x38;
	[tilespmem:$0x1FDD0] =	vst v63  }
0x9a: {  	_ =	swait.ge [sflag:s20], $0x280  }
0x9b: {  	[sflag:s20] =	ssyncset.done $0x0  }
0x9c: {  	[sflag:s20] =	ssyncadd.s32 $0xFFFFFD80  }
.Ltmp10:
0x9d: {  	(pc) =	sbr.rel .LBB2_16-.Ltmp10, $3  }
0x9e: {  	_ =	sdelay $0x1  }
0x9f: {  	[bflag:$0x0] =	sbarrier.arrive $0xFFFF  }
0xa0: {  	s17 =	simm.s32 $0x0  }
.LBB2_20:
0xa1: {  	s17 =	sadd.s32 $0x1, s17  }
0xa2: {  	p1 =	sne.s32 s17, $0x4F  }
.Ltmp11:
0xa3: {  	_ = 	snop;
	(pc) =	sbr.rel @!p1 .LBB2_21-.Ltmp11, $1  }
0xa4: {  	_ =	sdelay $0x3  }
.LBB2_16:
0xa5: {  	s2 =	sshll.u32 s17, $0x5  }
0xa6: {  	s2 =	sor.u32 s2, s12  }
0xa7: {  	s4 =	sor.u32 s3, s2  }
0xa8: {  	p1 =	sgt.u32 s4, $0x9C3  }
.Ltmp12:
0xa9: {  	_ = 	snop;
	(pc) =	sbr.rel @p1 .LBB2_20-.Ltmp12, $1  }
0xaa: {  	_ =	sdelay $0x3  }
0xab: {  	s2 =	sshll.u32 s4, $0x3  }
0xac: {  	s16 =	simm.s32 $0x0;
	s6 =	sadd.s32 s0, s2  }
0xad: {  	[tilespmem:s28], [sflag:$0x2] =	stream.linear.gather [hbm4b:s6+s16], $0x40, $0x38;
	[tilespmem:$0x1FDD0] =	vst v63  }
0xae: {  	_ =	swait.ge [sflag:s22], $0x40  }
0xaf: {  	[sflag:s22] =	ssyncset.done $0x0  }
0xb0: {  	s2 =	sadd.s32 s1, s2;
	s6 =	sshll.u32 s4, $0xA;
	[sflag:s22] =	ssyncadd.s32 $0xFFFFFFC0  }
0xb1: {  	[tilespmem:s29], [sflag:$0x2] =	stream.linear.gather [hbm4b:s2+s16], $0x40, $0x38;
	[tilespmem:$0x1FDD0] =	vst v63  }
0xb2: {  	s2 =	sadd.s32 s14, s6;
	_ =	swait.ge [sflag:s22], $0x40  }
0xb3: {  	s2 =	sshrl.u32 s2, $0x3;
	[sflag:s22] =	ssyncset.done $0x0  }
0xb4: {  	s24 =	simm.s32 $0x1FC0;
	s2 =	sadd.s32 s11, s2;
	[sflag:s22] =	ssyncadd.s32 $0xFFFFFFC0  }
0xb5: {  	[tilespmem:s24], [sflag:$0x2] =	stream.linear.gather [hbm4b:s2+s16], $0x400, $0x38;
	[tilespmem:$0x1FDD0] =	vst v63  }
0xb6: {  	_ =	swait.ge [sflag:s22], $0x400  }
0xb7: {  	[sflag:s22] =	ssyncset.done $0x0  }
0xb8: {  	s25 =	simm.s32 $0x23C0;
	[sflag:s22] =	ssyncadd.s32 $0xFFFFFC00  }
0xb9: {  	[tilespmem:s25], [sflag:$0x2] =	stream.indirect.gather [spmem:s5], $0x10, s29, s31, $0xb8;
	[tilespmem:$0x1FDD0] =	vst v63  }
0xba: {  	_ =	swait.ge [sflag:s22], $0x400  }
0xbb: {  	[sflag:s22] =	ssyncset.done $0x0  }
0xbc: {  	[sflag:s22] =	ssyncadd.s32 $0xFFFFFC00  }
0xbd: {  	[tilespmem:s15], [sflag:$0x2] =	stream.indirect.gather [hbm4b:s10+s31], $0x100, s28, s31, $0xb8;
	[tilespmem:$0x1FDD0] =	vst v63  }
0xbe: {  	_ =	swait.ge [sflag:s22], $0x4000  }
0xbf: {  	[sflag:s22] =	ssyncset.done $0x0  }
0xc0: {  	s4 =	simm.s32 $0x2840;
	[sflag:s22] =	ssyncadd.s32 $0xFFFFC000  }
0xc1: {  	v5 =	vld [tilespmem:s4+$0x60]  }
0xc2: {  	v14 =	vld [tilespmem:s4+$0x0]  }
0xc3: {  	s30 =	simm.s32 $0x0;
	v6 =	vld [tilespmem:s4+$0x50]  }
0xc4: {  	v7 =	vld [tilespmem:s30+$0x1FC0]  }
0xc5: {  	v8 =	vld [tilespmem:s30+$0x23C0]  }
0xc6: {  	v11 =	vld [tilespmem:s4+$0x30]  }
0xc7: {  	v15 =	vld [tilespmem:s4+$0xFFFFFF80]  }
0xc8: {  	v18 =	vld [tilespmem:s4+$0x20]  }
0xc9: {  	v19 =	vld [tilespmem:s4+$0xFFFFFF90]  }
0xca: {  	v27 =	vld [tilespmem:s4+$0xFFFFFFD0]  }
0xcb: {  	v10 =	vshll.u32 v14, $0x10;
	v9 =	vshll.u32 v5, $0x10  }
0xcc: {  	v23 =	vld [tilespmem:s4+$0x10];
	v8 =	vmul.f32 v8, v7;
	v22 =	vand.u32 $0xFFFF0000, v6;
	v16 =	vand.u32 $0xFFFF0000, v5  }
0xcd: {  	v28 =	vld [tilespmem:s4+$0xFFFFFFC0];
	v24 =	vshll.u32 v11, $0x10;
	v33 =	vand.u32 $0xFFFF0000, v11;
	v7 =	vshll.u32 v6, $0x10  }
0xce: {  	v5 =	vshll.u32 v15, $0x10;
	v17 =	vshll.u32 v18, $0x10;
	v25 =	vshll.u32 v19, $0x10  }
0xcf: {  	v26 =	vld [tilespmem:s4+$0xFFFFFFE0];
	v34 =	vshll.u32 v27, $0x10;
	v11 =	vperm.xlane v8, v1;
	v13 =	vperm.xlane v8, v3  }
0xd0: {  	v12 =	vperm.xlane v8, v2;
	v6 =	vperm.xlane v8, v4;
	v8 =	vand.u32 $0xFFFF0000, v15  }
0xd1: {  	v29 =	vld [tilespmem:s4+$0x40];
	v15 =	vshll.u32 v23, $0x10;
	v21 =	vmul.f32 v5, v11;
	v5 =	vand.u32 $0xFFFF0000, v18  }
0xd2: {  	v32 =	vld [tilespmem:s4+$0xFFFFFFA0];
	v31 =	vmul.f32 v8, v11;
	v8 =	vmul.f32 v24, v13;
	v24 =	vshll.u32 v28, $0x10  }
0xd3: {  	v20 =	vmul.f32 v5, v13;
	v5 =	vmul.f32 v22, v6;
	v22 =	vand.u32 $0xFFFF0000, v28  }
0xd4: {  	v18 =	vand.u32 $0xFFFF0000, v19;
	v19 =	vmul.f32 v22, v12;
	v22 =	vand.u32 $0xFFFF0000, v26  }
0xd5: {  	s6 =	simm.s32 $0x2840;
	v15 =	vmul.f32 v15, v13;
	v28 =	vmul.f32 v22, v12;
	v22 =	vand.u32 $0xFFFF0000, v23  }
0xd6: {  	s24 =	simm.s32 $0x6800;
	s16 =	simm.s32 $0x6800;
	s25 =	simm.s32 $0x40;
	v30 =	vld [tilespmem:s4+$0xFFFFFFB0];
	v23 =	vadd.f32 v19, v31;
	v31 =	vmul.f32 v34, v12;
	v19 =	vmul.f32 v33, v13  }
.LBB2_18:
0xd7: {  	p1 =	sne.s32 s25, $0xFC0;
	v33 =	vshll.u32 v32, $0x10;
	v26 =	vshll.u32 v26, $0x10;
	v34 =	vshll.u32 v29, $0x10;
	s24 =	sadd.s32 $0x80, s24;
	s4 =	sadd.s32 $0x100, s4  }
0xd8: {  	v32 =	vand.u32 $0xFFFF0000, v32;
	v27 =	vand.u32 $0xFFFF0000, v27;
	s30 =	smov.u32 s25;
	s25 =	sadd.s32 $0x40, s25;
	v34 =	vmul.f32 v34, v6  }
0xd9: {  	v25 =	vmul.f32 v25, v11;
	v29 =	vand.u32 $0xFFFF0000, v29;
	v27 =	vmul.f32 v27, v12;
	v35 =	vld [tilespmem:s6+$0x70]  }
0xda: {  	v14 =	vand.u32 $0xFFFF0000, v14;
	v33 =	vmul.f32 v33, v11;
	v32 =	vmul.f32 v32, v11;
	v36 =	vld [tilespmem:s6+$0xFFFFFFF0];
	s6 =	smov.u32 s4  }
0xdb: {  	v24 =	vmul.f32 v24, v12;
	v26 =	vmul.f32 v26, v12;
	v37 =	vand.u32 $0xFFFF0000, v30  }
0xdc: {  	v25 =	vadd.f32 v31, v25;
	v28 =	vadd.f32 v28, v32;
	v30 =	vshll.u32 v30, $0x10  }
0xdd: {  	v16 =	vmul.f32 v16, v6;
	v14 =	vmul.f32 v14, v13;
	v21 =	vadd.f32 v24, v21  }
0xde: {  	v24 =	vmul.f32 v37, v11;
	v20 =	vadd.f32 v20, v28;
	v28 =	vshll.u32 v35, $0x10  }
0xdf: {  	v17 =	vmul.f32 v17, v13;
	v26 =	vadd.f32 v26, v33;
	v30 =	vmul.f32 v30, v11  }
0xe0: {  	v31 =	vshll.u32 v36, $0x10;
	v32 =	vand.u32 $0xFFFF0000, v36;
	v28 =	vmul.f32 v28, v6  }
0xe1: {  	v10 =	vmul.f32 v10, v13;
	v9 =	vmul.f32 v9, v6;
	v17 =	vadd.f32 v17, v26  }
0xe2: {  	v14 =	vadd.f32 v14, v23;
	v23 =	vmul.f32 v29, v6;
	v26 =	vmul.f32 v32, v12  }
0xe3: {  	v13 =	vmul.f32 v22, v13;
	v10 =	vadd.f32 v10, v21;
	v9 =	vadd.f32 v9, v17  }
0xe4: {  	v7 =	vmul.f32 v7, v6;
	v11 =	vmul.f32 v18, v11;
	v17 =	vadd.f32 v26, v24  }
0xe5: {  	v14 =	vadd.f32 v23, v14;
	v18 =	vand.u32 $0xFFFF0000, v35;
	v12 =	vmul.f32 v31, v12  }
0xe6: {  	v16 =	vadd.f32 v16, v20;
	v6 =	vmul.f32 v18, v6;
	v17 =	vadd.f32 v19, v17;
	[tilespmem:s16+$0x0] =	vst v9  }
0xe7: {  	v9 =	vadd.f32 v27, v11;
	v11 =	vadd.f32 v15, v25;
	[tilespmem:s16+$0xFFFFFFD0] =	vst v14  }
0xe8: {  	v12 =	vadd.f32 v12, v30;
	v6 =	vadd.f32 v6, v17  }
0xe9: {  	v9 =	vadd.f32 v13, v9;
	v7 =	vadd.f32 v7, v11;
	[tilespmem:s16+$0x10] =	vst v16  }
0xea: {  	v10 =	vadd.f32 v34, v10;
	v8 =	vadd.f32 v8, v12;
	[tilespmem:s16+$0x30] =	vst v6  }
0xeb: {  	v5 =	vadd.f32 v5, v9;
	[tilespmem:s16+$0xFFFFFFE0] =	vst v7  }
0xec: {  	v6 =	vadd.f32 v28, v8;
	[tilespmem:s16+$0xFFFFFFC0] =	vst v10  }
0xed: {  	[tilespmem:s16+$0xFFFFFFF0] =	vst v5  }
0xee: {  	[tilespmem:s16+$0x20] =	vst v6;
	s16 =	smov.u32 s24  }
0xef: {  	v5 =	vld [tilespmem:s4+$0x60]  }
0xf0: {  	v14 =	vld [tilespmem:s4+$0x0]  }
0xf1: {  	s2 =	sshra.s32 s30, $0x2;
	v6 =	vld [tilespmem:s4+$0x50]  }
0xf2: {  	v7 =	vld [tilespmem:s2+$0x1FC0]  }
0xf3: {  	v8 =	vld [tilespmem:s2+$0x23C0]  }
0xf4: {  	v11 =	vld [tilespmem:s4+$0x30]  }
0xf5: {  	v15 =	vld [tilespmem:s4+$0xFFFFFF80]  }
0xf6: {  	v18 =	vld [tilespmem:s4+$0x20]  }
0xf7: {  	v9 =	vshll.u32 v5, $0x10;
	v10 =	vshll.u32 v14, $0x10;
	v19 =	vld [tilespmem:s4+$0xFFFFFF90]  }
0xf8: {  	v16 =	vand.u32 $0xFFFF0000, v5;
	v23 =	vand.u32 $0xFFFF0000, v6;
	v8 =	vmul.f32 v8, v7;
	v22 =	vld [tilespmem:s4+$0x10]  }
0xf9: {  	v7 =	vshll.u32 v6, $0x10;
	v28 =	vld [tilespmem:s4+$0xFFFFFFC0];
	v24 =	vshll.u32 v11, $0x10;
	v33 =	vand.u32 $0xFFFF0000, v11  }
0xfa: {  	v11 =	vperm.xlane v8, v1;
	v13 =	vperm.xlane v8, v3;
	v5 =	vshll.u32 v15, $0x10  }
0xfb: {  	v12 =	vperm.xlane v8, v2;
	v6 =	vperm.xlane v8, v4;
	v26 =	vld [tilespmem:s4+$0xFFFFFFE0];
	v17 =	vshll.u32 v18, $0x10  }
0xfc: {  	v8 =	vand.u32 $0xFFFF0000, v15;
	v21 =	vmul.f32 v5, v11;
	v27 =	vld [tilespmem:s4+$0xFFFFFFD0];
	v5 =	vand.u32 $0xFFFF0000, v18  }
0xfd: {  	v25 =	vshll.u32 v19, $0x10;
	v20 =	vmul.f32 v5, v13;
	v29 =	vld [tilespmem:s4+$0x40];
	v5 =	vmul.f32 v23, v6  }
.Ltmp13:
0xfe: {  	v23 =	vmul.f32 v8, v11;
	v15 =	vshll.u32 v22, $0x10;
	v8 =	vmul.f32 v24, v13;
	v32 =	vld [tilespmem:s4+$0xFFFFFFA0];
	(pc) =	sbr.rel @p1 .LBB2_18-.Ltmp13, $4  }
0xff: {  	v24 =	vshll.u32 v28, $0x10;
	v28 =	vand.u32 $0xFFFF0000, v28;
	v15 =	vmul.f32 v15, v13  }
0x100: {  	v18 =	vand.u32 $0xFFFF0000, v19;
	v19 =	vmul.f32 v28, v12;
	v28 =	vand.u32 $0xFFFF0000, v26  }
0x101: {  	v22 =	vand.u32 $0xFFFF0000, v22;
	v31 =	vshll.u32 v27, $0x10;
	v28 =	vmul.f32 v28, v12  }
0x102: {  	v23 =	vadd.f32 v19, v23;
	v19 =	vmul.f32 v33, v13;
	v30 =	vld [tilespmem:s4+$0xFFFFFFB0];
	v31 =	vmul.f32 v31, v12  }
0x103: {  	v33 =	vshll.u32 v32, $0x10;
	v25 =	vmul.f32 v25, v11  }
0x104: {  	v26 =	vshll.u32 v26, $0x10;
	v24 =	vmul.f32 v24, v12;
	v16 =	vmul.f32 v16, v6  }
0x105: {  	v34 =	vshll.u32 v29, $0x10;
	v17 =	vmul.f32 v17, v13;
	v10 =	vmul.f32 v10, v13  }
0x106: {  	v44 =	vand.u32 $0xFFFF0000, v32;
	v9 =	vmul.f32 v9, v6;
	v54 =	vmul.f32 v22, v13  }
0x107: {  	v27 =	vand.u32 $0xFFFF0000, v27;
	v55 =	vmul.f32 v18, v11;
	v7 =	vmul.f32 v7, v6  }
0x108: {  	v45 =	vand.u32 $0xFFFF0000, v29;
	v27 =	vmul.f32 v27, v12;
	v33 =	vmul.f32 v33, v11  }
0x109: {  	v14 =	vand.u32 $0xFFFF0000, v14;
	v32 =	vmul.f32 v44, v11;
	v26 =	vmul.f32 v26, v12  }
0x10a: {  	v35 =	vld [tilespmem:s6+$0xFFFFFFF0];
	v14 =	vmul.f32 v14, v13;
	v25 =	vadd.f32 v31, v25;
	v21 =	vadd.f32 v24, v21  }
0x10b: {  	v53 =	vmul.f32 v45, v6;
	v28 =	vadd.f32 v28, v32;
	v26 =	vadd.f32 v26, v33  }
0x10c: {  	v61 =	vmul.f32 v34, v6;
	v14 =	vadd.f32 v14, v23;
	v59 =	vadd.f32 v27, v55  }
0x10d: {  	v48 =	vld [tilespmem:s6+$0x70];
	v36 =	vand.u32 $0xFFFF0000, v30;
	v46 =	vshll.u32 v30, $0x10;
	v10 =	vadd.f32 v10, v21  }
0x10e: {  	v60 =	vadd.f32 v15, v25;
	v47 =	vmul.f32 v36, v11;
	v20 =	vadd.f32 v20, v28  }
0x10f: {  	v49 =	vmul.f32 v46, v11;
	v51 =	vand.u32 $0xFFFF0000, v35;
	v17 =	vadd.f32 v17, v26  }
0x110: {  	v50 =	vshll.u32 v35, $0x10;
	v14 =	vadd.f32 v53, v14;
	v52 =	vmul.f32 v51, v12  }
0x111: {  	v57 =	vmul.f32 v50, v12;
	v7 =	vadd.f32 v7, v60;
	v9 =	vadd.f32 v9, v17  }
0x112: {  	v58 =	vand.u32 $0xFFFF0000, v48;
	v10 =	vadd.f32 v61, v10;
	[tilespmem:s16+$0xFFFFFFD0] =	vst v14;
	v56 =	vadd.f32 v52, v47  }
0x113: {  	v63 =	vshll.u32 v48, $0x10;
	v12 =	vadd.f32 v57, v49;
	[tilespmem:s16+$0x0] =	vst v9;
	v9 =	vadd.f32 v54, v59  }
0x114: {  	v18 =	vmul.f32 v58, v6;
	v16 =	vadd.f32 v16, v20;
	[tilespmem:s16+$0xFFFFFFE0] =	vst v7;
	v17 =	vadd.f32 v19, v56  }
0x115: {  	v6 =	vmul.f32 v63, v6;
	[tilespmem:s16+$0xFFFFFFC0] =	vst v10;
	v8 =	vadd.f32 v8, v12;
	v5 =	vadd.f32 v5, v9  }
0x116: {  	[tilespmem:s16+$0x10] =	vst v16;
	v62 =	vadd.f32 v18, v17  }
0x117: {  	v6 =	vadd.f32 v6, v8;
	[tilespmem:s16+$0xFFFFFFF0] =	vst v5  }
0x118: {  	[tilespmem:s16+$0x30] =	vst v62  }
.Ltmp14:
0x119: {  	s2 =	rddreg [dreg:$0x2];
	[tilespmem:s16+$0x20] =	vst v6;
	(pc) =	sbr.rel .LBB2_20-.Ltmp14, $4  }
0x11a: {  	[spmem:s2] =	stream.indirect.scatter.add.f32 [tilespmem:s18], [sflag:$0x1], $0x80, s29, s31, $0xb8;
	[tilespmem:$0x1FDD0] =	vst v63  }
0x11b: {  	_ =	swait.ge [sflag:s20], $0x2000  }
0x11c: {  	[sflag:s20] =	ssyncset.done $0x0  }
0x11d: {  	[sflag:s20] =	ssyncadd.s32 $0xFFFFE000  }
.LBB2_21:
.Ltmp15:
0x11e: {  	[bflag:$0x0] =	sbarrier.arrive $0xFFFF;
	(pc) =	sbr.rel @!p0 .LBB2_23-.Ltmp15, $4  }
0x11f: {  	s2 =	sshll.u32 s3, $0x6;
	s17 =	rddreg [dreg:$0x7]  }
0x120: {  	s4 =	sor.u32 $0x1C01, s2;
	s16 =	rddreg [dreg:$0x8];
	s30 =	sshrl.u32 s17, $0x3  }
0x121: {  	[hbm:s16], [sflag:s4] =	dma.local [spmem:s30], $0x280  }
0x122: {  	s6 =	sadd.s32 $0xFFFFFFFF, s13;
	s16 =	sadd.s32 $0x280, s16;
	_ =	swait.ge [sflag:s20], $0x280  }
.LBB2_22:
0x123: {  	[sflag:s20] =	ssyncset.done $0x0;
	s17 =	sadd.s32 $0x1400, s17;
	p0 =	sne.s32 s6, $0x1  }
.Ltmp16:
0x124: {  	s2 =	sshrl.u32 s17, $0x3;
	[sflag:s20] =	ssyncadd.s32 $0xFFFFFD80;
	(pc) =	sbr.rel @p0 .LBB2_22-.Ltmp16, $3  }
0x125: {  	[hbm:s16], [sflag:s4] =	dma.local [spmem:s2], $0x280  }
0x126: {  	s6 =	sadd.s32 $0xFFFFFFFF, s6;
	_ =	sdelay $0x1  }
0x127: {  	s16 =	sadd.s32 $0x280, s16;
	_ =	swait.ge [sflag:s20], $0x280  }
.LBB2_23:
0x128: {  	s4 =	rddreg [dreg:$0x9]  }
0x129: {  	s2 =	rddreg [dreg:$0x5];
	s4 =	sadd.s32 $0x1, s4  }
0x12a: {  	p0 =	sne.s32 s4, s2  }
.Ltmp17:
0x12b: {  	_ = 	snop;
	(pc) =	sbr.rel @p0 .LBB2_1-.Ltmp17, $3  }
0x12c: {  	_ =	sdelay $0x1  }
0x12d: {  	[sflag:s20] =	ssyncset.done $0x0  }
0x12e: {  	[sflag:s20] =	ssyncadd.s32 $0xFFFFFD80  }
0x12f: {  	_ =	sfence.sel $0x180000  }
0x130: {  	[bflag:$0x0] =	sbarrier.arrive $0xFFFF  }
0x131: {  	_ =	strace $0x90000047  }
0x132: {  	[bflag:$0x2] =	sbarrier.arrive $0xFFFF  }
0x133: {  	p0 =	sne.s32 s3, $0x0;
	s0 =	rddreg [dreg:$0x4]  }
0x134: {  	s0 =	sadd.s32 @!p0 $0x100000, s0  }
0x135: {  	[sflag:s0] =	ssyncadd.tile.s32 @!p0 $0x1;
	_ =	shalt  }
.Lfunc_end2:
_tile_overlayer_lowered:
.L_overlay_start_2:
0x136: {  	(tag) =	ssettag $0x2  }
0x137: {  	s0 =	rddreg [dreg:$0x0];
	s2 =	stileid.u32  }
0x138: {  	s1 =	rddreg [dreg:$0x1];
	p0 =	sne.s32 s2, $0x0  }
0x139: {  	s3 =	rddreg [dreg:$0x2];
	[bflag:$0x3] =	sbarrier.arrive $0xFFFF;
	s2 =	simm.s32 @!p0 $0x1C01  }
0x13a: {  	[timem:s3], [sflag:s2] =	dma.local @!p0 [hbm:s0], s1  }
0x13b: {  	s0 =	simm.s32 @!p0 $0x1  }
0x13c: {  	_ =	swait.ge @!p0 [sflag:s0], s1  }
0x13d: {  	s1 =	ssub.s32 @!p0 $0x0, s1;
	[sflag:s0] =	ssyncset.done @!p0 $0x0  }
0x13e: {  	[sflag:s0] =	ssyncadd.s32 @!p0 s1  }
0x13f: {  	[bflag:$0x3] =	sbarrier.arrive $0xFFFF  }
0x140: {  	_ =	shalt  }

</sc_bundles>
